<compile_context>
chip_gen: v7x
topology: tpu7x:2x2x1
jax: 0.10.2.dev20260603
libtpu: 0.0.44.dev20260713+nightly
codegen_flags: <defaults>
</compile_context>

<pallas_src>
import functools

import jax
import jax.numpy as jnp
from jax import lax
from jax.experimental import pallas as pl
from jax.experimental.pallas import tpu as pltpu
from jax.experimental.pallas import tpu_sc as plsc

D_VOCAB = 100000
D_MODEL = 1024
B_ROWS = 4
B_COLS = 4096

NC = 2
NS = 16
NW = NC * NS
B_PER_W = B_ROWS * B_COLS // NW
W_PER_ROW = B_COLS // B_PER_W

K = 32
NBUF = 3
N_CHUNKS = B_PER_W // K


def _make_embed_kernel():
  mesh = plsc.VectorSubcoreMesh(
      core_axis_name="c", subcore_axis_name="s", num_cores=NC)

  scratch = [pltpu.VMEM((B_PER_W,), jnp.int32)]
  scratch += [pltpu.VMEM((K, D_MODEL), jnp.float32) for _ in range(NBUF)]
  scratch += [pltpu.SemaphoreType.DMA for _ in range(2 * NBUF)]

  @functools.partial(
      pl.kernel,
      mesh=mesh,
      out_type=jax.ShapeDtypeStruct((B_ROWS, B_COLS, D_MODEL), jnp.float32),
      scratch_types=scratch,
  )
  def embed(table_hbm, tok_hbm, out_hbm, idx_v, *bufs_and_sems):
    bufs = bufs_and_sems[:NBUF]
    g_sems = bufs_and_sems[NBUF:2 * NBUF]
    p_sems = bufs_and_sems[2 * NBUF:]

    wid = lax.axis_index("s") * NC + lax.axis_index("c")
    brow = wid // W_PER_ROW
    bcol = (wid % W_PER_ROW) * B_PER_W

    pltpu.sync_copy(tok_hbm.at[brow, pl.ds(bcol, 128)], idx_v.at[pl.ds(0, 128)])

    def gather_dma(c, slot):
      return pltpu.make_async_copy(
          table_hbm.at[idx_v.at[pl.ds(c * K, K)]], bufs[slot], g_sems[slot])

    def put_dma(c, slot):
      return pltpu.make_async_copy(
          bufs[slot], out_hbm.at[brow, pl.ds(bcol + c * K, K)], p_sems[slot])

    for b in range(min(NBUF, N_CHUNKS)):
      gather_dma(b, b).start()
    pltpu.sync_copy(
        tok_hbm.at[brow, pl.ds(bcol + 128, B_PER_W - 128)],
        idx_v.at[pl.ds(128, B_PER_W - 128)])
    for c in range(N_CHUNKS):
      slot = c % NBUF
      gather_dma(c, slot).wait()
      put_dma(c, slot).start()
      nxt = c + NBUF
      if nxt < N_CHUNKS:
        put_dma(c, slot).wait()
        gather_dma(nxt, slot).start()
    for c in range(max(N_CHUNKS - NBUF, 0), N_CHUNKS):
      put_dma(c, c % NBUF).wait()

  return embed


_embed = _make_embed_kernel()


def kernel(tokens, W_E):
  return _embed(W_E, tokens)

# --- scband reference (transcript-rebuilt; emitter-appended) ---
"""Pipeline reference for scband-embed-57612691309272 (READ-ONLY COPY).

The authoritative reference and input builder live on the scoring server;
editing this copy changes nothing except your own understanding.
"""

import jax, jax.numpy as jnp
import numpy as np

D_VOCAB = 100000
D_MODEL = 1024

def setup_inputs(seed: int = 0) -> dict:
    key = jax.random.key(seed)
    k_tok, k_w = jax.random.split(key)
    tokens = jax.random.randint(k_tok, (4, 4096), 0, D_VOCAB, dtype=jnp.int64 if jax.config.jax_enable_x64 else jnp.int32)
    W_E = jax.random.normal(k_w, (D_VOCAB, D_MODEL), dtype=jnp.float32)  # std=1, matching nn.init.normal_(std=1)
    return {"tokens": tokens, "W_E": W_E}

def reference(tokens, W_E):
    # Embed.forward: return self.W_E[tokens]
    return jnp.take(W_E, tokens, axis=0)

if __name__ == "__main__":
    import jax
    _d = setup_inputs()
    print(jax.jit(kernel)(*tuple(_d.values())))

</pallas_src>

<mosaic_0001>
#map = affine_map<(d0, d1) -> (0, 0)>
#map1 = affine_map<(d0, d1) -> (0, 0, 0)>
module attributes {stable_mosaic.version = 14 : i64} {
  func.func @embed(%arg0: i32, %arg1: i32, %arg2: memref<100000x1024xf32, #tpu.memory_space<hbm>>, %arg3: memref<4x4096xi32, #tpu.memory_space<hbm>>, %arg4: memref<4x4096x1024xf32, #tpu.memory_space<hbm>>, %arg5: memref<512xi32, #tpu.memory_space<vmem>>, %arg6: memref<32x1024xf32, #tpu.memory_space<vmem>>, %arg7: memref<32x1024xf32, #tpu.memory_space<vmem>>, %arg8: memref<32x1024xf32, #tpu.memory_space<vmem>>, %arg9: memref<!tpu.dma_semaphore, #tpu.memory_space<semaphore_mem>>, %arg10: memref<!tpu.dma_semaphore, #tpu.memory_space<semaphore_mem>>, %arg11: memref<!tpu.dma_semaphore, #tpu.memory_space<semaphore_mem>>, %arg12: memref<!tpu.dma_semaphore, #tpu.memory_space<semaphore_mem>>, %arg13: memref<!tpu.dma_semaphore, #tpu.memory_space<semaphore_mem>>, %arg14: memref<!tpu.dma_semaphore, #tpu.memory_space<semaphore_mem>>) attributes {dimension_semantics = [#tpu.dimension_semantics<core_parallel>, #tpu.dimension_semantics<subcore_parallel>], iteration_bounds = array<i64: 2, 16>, scalar_prefetch = 0 : i64, scratch_operands = 10 : i64, tpu.core_type = #tpu.core_type<sc_vector_subcore>, window_params = [{transform_indices = #map}, {transform_indices = #map}, {transform_indices = #map1}]} {
    %mul3A = arith.constant 2 : i32
    %mul3A_0 = arith.muli %arg1, %mul3A : i32
    %add3A = arith.addi %mul3A_0, %arg0 : i32
    %jit3A = arith.constant 8 : i32
    %div3A = arith.divsi %add3A, %jit3A : i32
    %sign3A = arith.constant 0 : i32
    %sign3A_1 = arith.cmpi sgt, %add3A, %sign3A : i32
    %sign3A_2 = arith.extui %sign3A_1 : i1 to i32
    %sign3A_3 = arith.constant 0 : i32
    %sign3A_4 = arith.cmpi slt, %add3A, %sign3A_3 : i32
    %sign3A_5 = arith.extui %sign3A_4 : i1 to i32
    %sign3A_6 = arith.subi %sign3A_2, %sign3A_5 : i32
    %sign3A_7 = arith.constant 0 : i32
    %sign3A_8 = arith.cmpi sgt, %jit3A, %sign3A_7 : i32
    %sign3A_9 = arith.extui %sign3A_8 : i1 to i32
    %sign3A_10 = arith.constant 0 : i32
    %sign3A_11 = arith.cmpi slt, %jit3A, %sign3A_10 : i32
    %sign3A_12 = arith.extui %sign3A_11 : i1 to i32
    %sign3A_13 = arith.subi %sign3A_9, %sign3A_12 : i32
    %ne3A = arith.cmpi ne, %sign3A_6, %sign3A_13 : i32
    %rem3A = arith.remsi %add3A, %jit3A : i32
    %ne3A_14 = arith.constant 0 : i32
    %ne3A_15 = arith.cmpi ne, %rem3A, %ne3A_14 : i32
    %and3A = arith.andi %ne3A, %ne3A_15 : i1
    %sub3A = arith.constant 1 : i32
    %sub3A_16 = arith.subi %div3A, %sub3A : i32
    %select_n3A = arith.select %and3A, %sub3A_16, %div3A : i32
    %jit3A_17 = arith.constant 8 : i32
    %eq3A = arith.constant 0 : i32
    %eq3A_18 = arith.cmpi eq, %jit3A_17, %eq3A : i32
    %jit3A_19 = arith.constant 1 : i32
    %select_n3A_20 = arith.select %eq3A_18, %jit3A_19, %jit3A_17 : i32
    %rem3A_21 = arith.remsi %add3A, %select_n3A_20 : i32
    %ne3A_22 = arith.constant 0 : i32
    %ne3A_23 = arith.cmpi ne, %rem3A_21, %ne3A_22 : i32
    %lt3A = arith.constant 0 : i32
    %lt3A_24 = arith.cmpi slt, %rem3A_21, %lt3A : i32
    %lt3A_25 = arith.constant 0 : i32
    %lt3A_26 = arith.cmpi slt, %select_n3A_20, %lt3A_25 : i32
    %ne3A_27 = arith.xori %lt3A_24, %lt3A_26 : i1
    %and3A_28 = arith.andi %ne3A_27, %ne3A_23 : i1
    %add3A_29 = arith.addi %rem3A_21, %select_n3A_20 : i32
    %select_n3A_30 = arith.select %and3A_28, %add3A_29, %rem3A_21 : i32
    %mul3A_31 = arith.constant 512 : i32
    %mul3A_32 = arith.muli %select_n3A_30, %mul3A_31 : i32
    "tpu.region"() ({
      %run_scoped3A = tpu.sem_alloc : memref<!tpu.dma_semaphore, #tpu.memory_space<semaphore_mem>>
      %dma_start3A_449 = arith.constant 0 : i32
      %dma_start3A_450 = tpu.memref_slice %arg5[%dma_start3A_449] : memref<512xi32, #tpu.memory_space<vmem>> -> memref<128xi32, #tpu.memory_space<vmem>>
      %dma_start3A_451 = tpu.memref_slice %arg3[%select_n3A, %mul3A_32] : memref<4x4096xi32, #tpu.memory_space<hbm>> -> memref<1x128xi32, #tpu.memory_space<hbm>>
      %dma_start3A_452 = tpu.memref_squeeze %dma_start3A_451 : memref<1x128xi32, #tpu.memory_space<hbm>> -> memref<128xi32, #tpu.memory_space<hbm>>
      %dma_start3A_453 = arith.constant 0 : i32
      %dma_start3A_454 = tpu.memref_slice %arg5[%dma_start3A_453] : memref<512xi32, #tpu.memory_space<vmem>> -> memref<128xi32, #tpu.memory_space<vmem>>
      %dma_start3A_455 = tpu.memref_slice %arg3[%select_n3A, %mul3A_32] : memref<4x4096xi32, #tpu.memory_space<hbm>> -> memref<1x128xi32, #tpu.memory_space<hbm>>
      %dma_start3A_456 = tpu.memref_squeeze %dma_start3A_455 : memref<1x128xi32, #tpu.memory_space<hbm>> -> memref<128xi32, #tpu.memory_space<hbm>>
      tpu.enqueue_dma source(%dma_start3A_456 : memref<128xi32, #tpu.memory_space<hbm>>) target(%dma_start3A_454 : memref<128xi32, #tpu.memory_space<vmem>>) target_semaphore(%run_scoped3A : memref<!tpu.dma_semaphore, #tpu.memory_space<semaphore_mem>>)
      %dma_wait3A_457 = arith.constant 0 : i32
      %dma_wait3A_458 = tpu.memref_slice %arg5[%dma_wait3A_457] : memref<512xi32, #tpu.memory_space<vmem>> -> memref<128xi32, #tpu.memory_space<vmem>>
      %dma_wait3A_459 = tpu.memref_slice %arg3[%select_n3A, %mul3A_32] : memref<4x4096xi32, #tpu.memory_space<hbm>> -> memref<1x128xi32, #tpu.memory_space<hbm>>
      %dma_wait3A_460 = tpu.memref_squeeze %dma_wait3A_459 : memref<1x128xi32, #tpu.memory_space<hbm>> -> memref<128xi32, #tpu.memory_space<hbm>>
      %dma_wait3A_461 = arith.constant 0 : i32
      %dma_wait3A_462 = tpu.memref_slice %arg5[%dma_wait3A_461] : memref<512xi32, #tpu.memory_space<vmem>> -> memref<128xi32, #tpu.memory_space<vmem>>
      %dma_wait3A_463 = tpu.memref_slice %arg3[%select_n3A, %mul3A_32] : memref<4x4096xi32, #tpu.memory_space<hbm>> -> memref<1x128xi32, #tpu.memory_space<hbm>>
      %dma_wait3A_464 = tpu.memref_squeeze %dma_wait3A_463 : memref<1x128xi32, #tpu.memory_space<hbm>> -> memref<128xi32, #tpu.memory_space<hbm>>
      tpu.wait_dma2 semaphore(%run_scoped3A : memref<!tpu.dma_semaphore, #tpu.memory_space<semaphore_mem>>) src(%dma_wait3A_464 : memref<128xi32, #tpu.memory_space<hbm>>) dst(%dma_wait3A_462 : memref<128xi32, #tpu.memory_space<vmem>>)
      tpu.yield
    }) : () -> ()
    %dma_start3A = arith.constant 0 : i32
    %dma_start3A_33 = tpu.memref_slice %arg5[%dma_start3A] : memref<512xi32, #tpu.memory_space<vmem>> -> memref<32xi32, #tpu.memory_space<vmem>>
    %dma_start3A_34 = arith.constant 0 : i32
    %dma_start3A_35 = arith.constant 0 : i32
    %dma_start3A_36 = tpu.memref_slice %arg2[%dma_start3A_34, %dma_start3A_35] : memref<100000x1024xf32, #tpu.memory_space<hbm>> -> memref<100000x1024xf32, #tpu.memory_space<hbm>>
    tpu.enqueue_indirect_dma source(%dma_start3A_36 : memref<100000x1024xf32, #tpu.memory_space<hbm>>) target(%arg6 : memref<32x1024xf32, #tpu.memory_space<vmem>>) offsets(%dma_start3A_33 : memref<32xi32, #tpu.memory_space<vmem>>) semaphore(%arg9 : memref<!tpu.dma_semaphore, #tpu.memory_space<semaphore_mem>>)
    %dma_start3A_37 = arith.constant 32 : i32
    %dma_start3A_38 = tpu.memref_slice %arg5[%dma_start3A_37] : memref<512xi32, #tpu.memory_space<vmem>> -> memref<32xi32, #tpu.memory_space<vmem>>
    %dma_start3A_39 = arith.constant 0 : i32
    %dma_start3A_40 = arith.constant 0 : i32
    %dma_start3A_41 = tpu.memref_slice %arg2[%dma_start3A_39, %dma_start3A_40] : memref<100000x1024xf32, #tpu.memory_space<hbm>> -> memref<100000x1024xf32, #tpu.memory_space<hbm>>
    tpu.enqueue_indirect_dma source(%dma_start3A_41 : memref<100000x1024xf32, #tpu.memory_space<hbm>>) target(%arg7 : memref<32x1024xf32, #tpu.memory_space<vmem>>) offsets(%dma_start3A_38 : memref<32xi32, #tpu.memory_space<vmem>>) semaphore(%arg10 : memref<!tpu.dma_semaphore, #tpu.memory_space<semaphore_mem>>)
    %dma_start3A_42 = arith.constant 64 : i32
    %dma_start3A_43 = tpu.memref_slice %arg5[%dma_start3A_42] : memref<512xi32, #tpu.memory_space<vmem>> -> memref<32xi32, #tpu.memory_space<vmem>>
    %dma_start3A_44 = arith.constant 0 : i32
    %dma_start3A_45 = arith.constant 0 : i32
    %dma_start3A_46 = tpu.memref_slice %arg2[%dma_start3A_44, %dma_start3A_45] : memref<100000x1024xf32, #tpu.memory_space<hbm>> -> memref<100000x1024xf32, #tpu.memory_space<hbm>>
    tpu.enqueue_indirect_dma source(%dma_start3A_46 : memref<100000x1024xf32, #tpu.memory_space<hbm>>) target(%arg8 : memref<32x1024xf32, #tpu.memory_space<vmem>>) offsets(%dma_start3A_43 : memref<32xi32, #tpu.memory_space<vmem>>) semaphore(%arg11 : memref<!tpu.dma_semaphore, #tpu.memory_space<semaphore_mem>>)
    %add3A_47 = arith.constant 128 : i32
    %add3A_48 = arith.addi %mul3A_32, %add3A_47 : i32
    "tpu.region"() ({
      %run_scoped3A = tpu.sem_alloc : memref<!tpu.dma_semaphore, #tpu.memory_space<semaphore_mem>>
      %dma_start3A_449 = arith.constant 128 : i32
      %dma_start3A_450 = tpu.memref_slice %arg5[%dma_start3A_449] : memref<512xi32, #tpu.memory_space<vmem>> -> memref<384xi32, #tpu.memory_space<vmem>>
      %dma_start3A_451 = tpu.memref_slice %arg3[%select_n3A, %add3A_48] : memref<4x4096xi32, #tpu.memory_space<hbm>> -> memref<1x384xi32, #tpu.memory_space<hbm>>
      %dma_start3A_452 = tpu.memref_squeeze %dma_start3A_451 : memref<1x384xi32, #tpu.memory_space<hbm>> -> memref<384xi32, #tpu.memory_space<hbm>>
      %dma_start3A_453 = arith.constant 128 : i32
      %dma_start3A_454 = tpu.memref_slice %arg5[%dma_start3A_453] : memref<512xi32, #tpu.memory_space<vmem>> -> memref<384xi32, #tpu.memory_space<vmem>>
      %dma_start3A_455 = tpu.memref_slice %arg3[%select_n3A, %add3A_48] : memref<4x4096xi32, #tpu.memory_space<hbm>> -> memref<1x384xi32, #tpu.memory_space<hbm>>
      %dma_start3A_456 = tpu.memref_squeeze %dma_start3A_455 : memref<1x384xi32, #tpu.memory_space<hbm>> -> memref<384xi32, #tpu.memory_space<hbm>>
      tpu.enqueue_dma source(%dma_start3A_456 : memref<384xi32, #tpu.memory_space<hbm>>) target(%dma_start3A_454 : memref<384xi32, #tpu.memory_space<vmem>>) target_semaphore(%run_scoped3A : memref<!tpu.dma_semaphore, #tpu.memory_space<semaphore_mem>>)
      %dma_wait3A_457 = arith.constant 128 : i32
      %dma_wait3A_458 = tpu.memref_slice %arg5[%dma_wait3A_457] : memref<512xi32, #tpu.memory_space<vmem>> -> memref<384xi32, #tpu.memory_space<vmem>>
      %dma_wait3A_459 = tpu.memref_slice %arg3[%select_n3A, %add3A_48] : memref<4x4096xi32, #tpu.memory_space<hbm>> -> memref<1x384xi32, #tpu.memory_space<hbm>>
      %dma_wait3A_460 = tpu.memref_squeeze %dma_wait3A_459 : memref<1x384xi32, #tpu.memory_space<hbm>> -> memref<384xi32, #tpu.memory_space<hbm>>
      %dma_wait3A_461 = arith.constant 128 : i32
      %dma_wait3A_462 = tpu.memref_slice %arg5[%dma_wait3A_461] : memref<512xi32, #tpu.memory_space<vmem>> -> memref<384xi32, #tpu.memory_space<vmem>>
      %dma_wait3A_463 = tpu.memref_slice %arg3[%select_n3A, %add3A_48] : memref<4x4096xi32, #tpu.memory_space<hbm>> -> memref<1x384xi32, #tpu.memory_space<hbm>>
      %dma_wait3A_464 = tpu.memref_squeeze %dma_wait3A_463 : memref<1x384xi32, #tpu.memory_space<hbm>> -> memref<384xi32, #tpu.memory_space<hbm>>
      tpu.wait_dma2 semaphore(%run_scoped3A : memref<!tpu.dma_semaphore, #tpu.memory_space<semaphore_mem>>) src(%dma_wait3A_464 : memref<384xi32, #tpu.memory_space<hbm>>) dst(%dma_wait3A_462 : memref<384xi32, #tpu.memory_space<vmem>>)
      tpu.yield
    }) : () -> ()
    %dma_wait3A = arith.constant 0 : i32
    %dma_wait3A_49 = tpu.memref_slice %arg5[%dma_wait3A] : memref<512xi32, #tpu.memory_space<vmem>> -> memref<32xi32, #tpu.memory_space<vmem>>
    %dma_wait3A_50 = arith.constant 0 : i32
    %dma_wait3A_51 = arith.constant 0 : i32
    %dma_wait3A_52 = tpu.memref_slice %arg2[%dma_wait3A_50, %dma_wait3A_51] : memref<100000x1024xf32, #tpu.memory_space<hbm>> -> memref<100000x1024xf32, #tpu.memory_space<hbm>>
    tpu.wait_indirect_dma semaphore(%arg9 : memref<!tpu.dma_semaphore, #tpu.memory_space<semaphore_mem>>) src(%dma_wait3A_52 : memref<100000x1024xf32, #tpu.memory_space<hbm>>) dst(%arg6 : memref<32x1024xf32, #tpu.memory_space<vmem>>)
    %add3A_53 = arith.constant 0 : i32
    %add3A_54 = arith.addi %mul3A_32, %add3A_53 : i32
    %dma_start3A_55 = arith.constant 0 : i32
    %dma_start3A_56 = tpu.memref_slice %arg4[%select_n3A, %add3A_54, %dma_start3A_55] : memref<4x4096x1024xf32, #tpu.memory_space<hbm>> -> memref<1x32x1024xf32, #tpu.memory_space<hbm>>
    %dma_start3A_57 = tpu.memref_squeeze %dma_start3A_56 : memref<1x32x1024xf32, #tpu.memory_space<hbm>> -> memref<32x1024xf32, #tpu.memory_space<hbm>>
    %dma_start3A_58 = arith.constant 0 : i32
    %dma_start3A_59 = tpu.memref_slice %arg4[%select_n3A, %add3A_54, %dma_start3A_58] : memref<4x4096x1024xf32, #tpu.memory_space<hbm>> -> memref<1x32x1024xf32, #tpu.memory_space<hbm>>
    %dma_start3A_60 = tpu.memref_squeeze %dma_start3A_59 : memref<1x32x1024xf32, #tpu.memory_space<hbm>> -> memref<32x1024xf32, #tpu.memory_space<hbm>>
    tpu.enqueue_dma source(%arg6 : memref<32x1024xf32, #tpu.memory_space<vmem>>) target(%dma_start3A_60 : memref<32x1024xf32, #tpu.memory_space<hbm>>) target_semaphore(%arg12 : memref<!tpu.dma_semaphore, #tpu.memory_space<semaphore_mem>>)
    %add3A_61 = arith.constant 0 : i32
    %add3A_62 = arith.addi %mul3A_32, %add3A_61 : i32
    %dma_wait3A_63 = arith.constant 0 : i32
    %dma_wait3A_64 = tpu.memref_slice %arg4[%select_n3A, %add3A_62, %dma_wait3A_63] : memref<4x4096x1024xf32, #tpu.memory_space<hbm>> -> memref<1x32x1024xf32, #tpu.memory_space<hbm>>
    %dma_wait3A_65 = tpu.memref_squeeze %dma_wait3A_64 : memref<1x32x1024xf32, #tpu.memory_space<hbm>> -> memref<32x1024xf32, #tpu.memory_space<hbm>>
    %dma_wait3A_66 = arith.constant 0 : i32
    %dma_wait3A_67 = tpu.memref_slice %arg4[%select_n3A, %add3A_62, %dma_wait3A_66] : memref<4x4096x1024xf32, #tpu.memory_space<hbm>> -> memref<1x32x1024xf32, #tpu.memory_space<hbm>>
    %dma_wait3A_68 = tpu.memref_squeeze %dma_wait3A_67 : memref<1x32x1024xf32, #tpu.memory_space<hbm>> -> memref<32x1024xf32, #tpu.memory_space<hbm>>
    tpu.wait_dma2 semaphore(%arg12 : memref<!tpu.dma_semaphore, #tpu.memory_space<semaphore_mem>>) src(%arg6 : memref<32x1024xf32, #tpu.memory_space<vmem>>) dst(%dma_wait3A_68 : memref<32x1024xf32, #tpu.memory_space<hbm>>)
    %dma_start3A_69 = arith.constant 96 : i32
    %dma_start3A_70 = tpu.memref_slice %arg5[%dma_start3A_69] : memref<512xi32, #tpu.memory_space<vmem>> -> memref<32xi32, #tpu.memory_space<vmem>>
    %dma_start3A_71 = arith.constant 0 : i32
    %dma_start3A_72 = arith.constant 0 : i32
    %dma_start3A_73 = tpu.memref_slice %arg2[%dma_start3A_71, %dma_start3A_72] : memref<100000x1024xf32, #tpu.memory_space<hbm>> -> memref<100000x1024xf32, #tpu.memory_space<hbm>>
    tpu.enqueue_indirect_dma source(%dma_start3A_73 : memref<100000x1024xf32, #tpu.memory_space<hbm>>) target(%arg6 : memref<32x1024xf32, #tpu.memory_space<vmem>>) offsets(%dma_start3A_70 : memref<32xi32, #tpu.memory_space<vmem>>) semaphore(%arg9 : memref<!tpu.dma_semaphore, #tpu.memory_space<semaphore_mem>>)
    %dma_wait3A_74 = arith.constant 32 : i32
    %dma_wait3A_75 = tpu.memref_slice %arg5[%dma_wait3A_74] : memref<512xi32, #tpu.memory_space<vmem>> -> memref<32xi32, #tpu.memory_space<vmem>>
    %dma_wait3A_76 = arith.constant 0 : i32
    %dma_wait3A_77 = arith.constant 0 : i32
    %dma_wait3A_78 = tpu.memref_slice %arg2[%dma_wait3A_76, %dma_wait3A_77] : memref<100000x1024xf32, #tpu.memory_space<hbm>> -> memref<100000x1024xf32, #tpu.memory_space<hbm>>
    tpu.wait_indirect_dma semaphore(%arg10 : memref<!tpu.dma_semaphore, #tpu.memory_space<semaphore_mem>>) src(%dma_wait3A_78 : memref<100000x1024xf32, #tpu.memory_space<hbm>>) dst(%arg7 : memref<32x1024xf32, #tpu.memory_space<vmem>>)
    %add3A_79 = arith.constant 32 : i32
    %add3A_80 = arith.addi %mul3A_32, %add3A_79 : i32
    %dma_start3A_81 = arith.constant 0 : i32
    %dma_start3A_82 = tpu.memref_slice %arg4[%select_n3A, %add3A_80, %dma_start3A_81] : memref<4x4096x1024xf32, #tpu.memory_space<hbm>> -> memref<1x32x1024xf32, #tpu.memory_space<hbm>>
    %dma_start3A_83 = tpu.memref_squeeze %dma_start3A_82 : memref<1x32x1024xf32, #tpu.memory_space<hbm>> -> memref<32x1024xf32, #tpu.memory_space<hbm>>
    %dma_start3A_84 = arith.constant 0 : i32
    %dma_start3A_85 = tpu.memref_slice %arg4[%select_n3A, %add3A_80, %dma_start3A_84] : memref<4x4096x1024xf32, #tpu.memory_space<hbm>> -> memref<1x32x1024xf32, #tpu.memory_space<hbm>>
    %dma_start3A_86 = tpu.memref_squeeze %dma_start3A_85 : memref<1x32x1024xf32, #tpu.memory_space<hbm>> -> memref<32x1024xf32, #tpu.memory_space<hbm>>
    tpu.enqueue_dma source(%arg7 : memref<32x1024xf32, #tpu.memory_space<vmem>>) target(%dma_start3A_86 : memref<32x1024xf32, #tpu.memory_space<hbm>>) target_semaphore(%arg13 : memref<!tpu.dma_semaphore, #tpu.memory_space<semaphore_mem>>)
    %add3A_87 = arith.constant 32 : i32
    %add3A_88 = arith.addi %mul3A_32, %add3A_87 : i32
    %dma_wait3A_89 = arith.constant 0 : i32
    %dma_wait3A_90 = tpu.memref_slice %arg4[%select_n3A, %add3A_88, %dma_wait3A_89] : memref<4x4096x1024xf32, #tpu.memory_space<hbm>> -> memref<1x32x1024xf32, #tpu.memory_space<hbm>>
    %dma_wait3A_91 = tpu.memref_squeeze %dma_wait3A_90 : memref<1x32x1024xf32, #tpu.memory_space<hbm>> -> memref<32x1024xf32, #tpu.memory_space<hbm>>
    %dma_wait3A_92 = arith.constant 0 : i32
    %dma_wait3A_93 = tpu.memref_slice %arg4[%select_n3A, %add3A_88, %dma_wait3A_92] : memref<4x4096x1024xf32, #tpu.memory_space<hbm>> -> memref<1x32x1024xf32, #tpu.memory_space<hbm>>
    %dma_wait3A_94 = tpu.memref_squeeze %dma_wait3A_93 : memref<1x32x1024xf32, #tpu.memory_space<hbm>> -> memref<32x1024xf32, #tpu.memory_space<hbm>>
    tpu.wait_dma2 semaphore(%arg13 : memref<!tpu.dma_semaphore, #tpu.memory_space<semaphore_mem>>) src(%arg7 : memref<32x1024xf32, #tpu.memory_space<vmem>>) dst(%dma_wait3A_94 : memref<32x1024xf32, #tpu.memory_space<hbm>>)
    %dma_start3A_95 = arith.constant 128 : i32
    %dma_start3A_96 = tpu.memref_slice %arg5[%dma_start3A_95] : memref<512xi32, #tpu.memory_space<vmem>> -> memref<32xi32, #tpu.memory_space<vmem>>
    %dma_start3A_97 = arith.constant 0 : i32
    %dma_start3A_98 = arith.constant 0 : i32
    %dma_start3A_99 = tpu.memref_slice %arg2[%dma_start3A_97, %dma_start3A_98] : memref<100000x1024xf32, #tpu.memory_space<hbm>> -> memref<100000x1024xf32, #tpu.memory_space<hbm>>
    tpu.enqueue_indirect_dma source(%dma_start3A_99 : memref<100000x1024xf32, #tpu.memory_space<hbm>>) target(%arg7 : memref<32x1024xf32, #tpu.memory_space<vmem>>) offsets(%dma_start3A_96 : memref<32xi32, #tpu.memory_space<vmem>>) semaphore(%arg10 : memref<!tpu.dma_semaphore, #tpu.memory_space<semaphore_mem>>)
    %dma_wait3A_100 = arith.constant 64 : i32
    %dma_wait3A_101 = tpu.memref_slice %arg5[%dma_wait3A_100] : memref<512xi32, #tpu.memory_space<vmem>> -> memref<32xi32, #tpu.memory_space<vmem>>
    %dma_wait3A_102 = arith.constant 0 : i32
    %dma_wait3A_103 = arith.constant 0 : i32
    %dma_wait3A_104 = tpu.memref_slice %arg2[%dma_wait3A_102, %dma_wait3A_103] : memref<100000x1024xf32, #tpu.memory_space<hbm>> -> memref<100000x1024xf32, #tpu.memory_space<hbm>>
    tpu.wait_indirect_dma semaphore(%arg11 : memref<!tpu.dma_semaphore, #tpu.memory_space<semaphore_mem>>) src(%dma_wait3A_104 : memref<100000x1024xf32, #tpu.memory_space<hbm>>) dst(%arg8 : memref<32x1024xf32, #tpu.memory_space<vmem>>)
    %add3A_105 = arith.constant 64 : i32
    %add3A_106 = arith.addi %mul3A_32, %add3A_105 : i32
    %dma_start3A_107 = arith.constant 0 : i32
    %dma_start3A_108 = tpu.memref_slice %arg4[%select_n3A, %add3A_106, %dma_start3A_107] : memref<4x4096x1024xf32, #tpu.memory_space<hbm>> -> memref<1x32x1024xf32, #tpu.memory_space<hbm>>
    %dma_start3A_109 = tpu.memref_squeeze %dma_start3A_108 : memref<1x32x1024xf32, #tpu.memory_space<hbm>> -> memref<32x1024xf32, #tpu.memory_space<hbm>>
    %dma_start3A_110 = arith.constant 0 : i32
    %dma_start3A_111 = tpu.memref_slice %arg4[%select_n3A, %add3A_106, %dma_start3A_110] : memref<4x4096x1024xf32, #tpu.memory_space<hbm>> -> memref<1x32x1024xf32, #tpu.memory_space<hbm>>
    %dma_start3A_112 = tpu.memref_squeeze %dma_start3A_111 : memref<1x32x1024xf32, #tpu.memory_space<hbm>> -> memref<32x1024xf32, #tpu.memory_space<hbm>>
    tpu.enqueue_dma source(%arg8 : memref<32x1024xf32, #tpu.memory_space<vmem>>) target(%dma_start3A_112 : memref<32x1024xf32, #tpu.memory_space<hbm>>) target_semaphore(%arg14 : memref<!tpu.dma_semaphore, #tpu.memory_space<semaphore_mem>>)
    %add3A_113 = arith.constant 64 : i32
    %add3A_114 = arith.addi %mul3A_32, %add3A_113 : i32
    %dma_wait3A_115 = arith.constant 0 : i32
    %dma_wait3A_116 = tpu.memref_slice %arg4[%select_n3A, %add3A_114, %dma_wait3A_115] : memref<4x4096x1024xf32, #tpu.memory_space<hbm>> -> memref<1x32x1024xf32, #tpu.memory_space<hbm>>
    %dma_wait3A_117 = tpu.memref_squeeze %dma_wait3A_116 : memref<1x32x1024xf32, #tpu.memory_space<hbm>> -> memref<32x1024xf32, #tpu.memory_space<hbm>>
    %dma_wait3A_118 = arith.constant 0 : i32
    %dma_wait3A_119 = tpu.memref_slice %arg4[%select_n3A, %add3A_114, %dma_wait3A_118] : memref<4x4096x1024xf32, #tpu.memory_space<hbm>> -> memref<1x32x1024xf32, #tpu.memory_space<hbm>>
    %dma_wait3A_120 = tpu.memref_squeeze %dma_wait3A_119 : memref<1x32x1024xf32, #tpu.memory_space<hbm>> -> memref<32x1024xf32, #tpu.memory_space<hbm>>
    tpu.wait_dma2 semaphore(%arg14 : memref<!tpu.dma_semaphore, #tpu.memory_space<semaphore_mem>>) src(%arg8 : memref<32x1024xf32, #tpu.memory_space<vmem>>) dst(%dma_wait3A_120 : memref<32x1024xf32, #tpu.memory_space<hbm>>)
    %dma_start3A_121 = arith.constant 160 : i32
    %dma_start3A_122 = tpu.memref_slice %arg5[%dma_start3A_121] : memref<512xi32, #tpu.memory_space<vmem>> -> memref<32xi32, #tpu.memory_space<vmem>>
    %dma_start3A_123 = arith.constant 0 : i32
    %dma_start3A_124 = arith.constant 0 : i32
    %dma_start3A_125 = tpu.memref_slice %arg2[%dma_start3A_123, %dma_start3A_124] : memref<100000x1024xf32, #tpu.memory_space<hbm>> -> memref<100000x1024xf32, #tpu.memory_space<hbm>>
    tpu.enqueue_indirect_dma source(%dma_start3A_125 : memref<100000x1024xf32, #tpu.memory_space<hbm>>) target(%arg8 : memref<32x1024xf32, #tpu.memory_space<vmem>>) offsets(%dma_start3A_122 : memref<32xi32, #tpu.memory_space<vmem>>) semaphore(%arg11 : memref<!tpu.dma_semaphore, #tpu.memory_space<semaphore_mem>>)
    %dma_wait3A_126 = arith.constant 96 : i32
    %dma_wait3A_127 = tpu.memref_slice %arg5[%dma_wait3A_126] : memref<512xi32, #tpu.memory_space<vmem>> -> memref<32xi32, #tpu.memory_space<vmem>>
    %dma_wait3A_128 = arith.constant 0 : i32
    %dma_wait3A_129 = arith.constant 0 : i32
    %dma_wait3A_130 = tpu.memref_slice %arg2[%dma_wait3A_128, %dma_wait3A_129] : memref<100000x1024xf32, #tpu.memory_space<hbm>> -> memref<100000x1024xf32, #tpu.memory_space<hbm>>
    tpu.wait_indirect_dma semaphore(%arg9 : memref<!tpu.dma_semaphore, #tpu.memory_space<semaphore_mem>>) src(%dma_wait3A_130 : memref<100000x1024xf32, #tpu.memory_space<hbm>>) dst(%arg6 : memref<32x1024xf32, #tpu.memory_space<vmem>>)
    %add3A_131 = arith.constant 96 : i32
    %add3A_132 = arith.addi %mul3A_32, %add3A_131 : i32
    %dma_start3A_133 = arith.constant 0 : i32
    %dma_start3A_134 = tpu.memref_slice %arg4[%select_n3A, %add3A_132, %dma_start3A_133] : memref<4x4096x1024xf32, #tpu.memory_space<hbm>> -> memref<1x32x1024xf32, #tpu.memory_space<hbm>>
    %dma_start3A_135 = tpu.memref_squeeze %dma_start3A_134 : memref<1x32x1024xf32, #tpu.memory_space<hbm>> -> memref<32x1024xf32, #tpu.memory_space<hbm>>
    %dma_start3A_136 = arith.constant 0 : i32
    %dma_start3A_137 = tpu.memref_slice %arg4[%select_n3A, %add3A_132, %dma_start3A_136] : memref<4x4096x1024xf32, #tpu.memory_space<hbm>> -> memref<1x32x1024xf32, #tpu.memory_space<hbm>>
    %dma_start3A_138 = tpu.memref_squeeze %dma_start3A_137 : memref<1x32x1024xf32, #tpu.memory_space<hbm>> -> memref<32x1024xf32, #tpu.memory_space<hbm>>
    tpu.enqueue_dma source(%arg6 : memref<32x1024xf32, #tpu.memory_space<vmem>>) target(%dma_start3A_138 : memref<32x1024xf32, #tpu.memory_space<hbm>>) target_semaphore(%arg12 : memref<!tpu.dma_semaphore, #tpu.memory_space<semaphore_mem>>)
    %add3A_139 = arith.constant 96 : i32
    %add3A_140 = arith.addi %mul3A_32, %add3A_139 : i32
    %dma_wait3A_141 = arith.constant 0 : i32
    %dma_wait3A_142 = tpu.memref_slice %arg4[%select_n3A, %add3A_140, %dma_wait3A_141] : memref<4x4096x1024xf32, #tpu.memory_space<hbm>> -> memref<1x32x1024xf32, #tpu.memory_space<hbm>>
    %dma_wait3A_143 = tpu.memref_squeeze %dma_wait3A_142 : memref<1x32x1024xf32, #tpu.memory_space<hbm>> -> memref<32x1024xf32, #tpu.memory_space<hbm>>
    %dma_wait3A_144 = arith.constant 0 : i32
    %dma_wait3A_145 = tpu.memref_slice %arg4[%select_n3A, %add3A_140, %dma_wait3A_144] : memref<4x4096x1024xf32, #tpu.memory_space<hbm>> -> memref<1x32x1024xf32, #tpu.memory_space<hbm>>
    %dma_wait3A_146 = tpu.memref_squeeze %dma_wait3A_145 : memref<1x32x1024xf32, #tpu.memory_space<hbm>> -> memref<32x1024xf32, #tpu.memory_space<hbm>>
    tpu.wait_dma2 semaphore(%arg12 : memref<!tpu.dma_semaphore, #tpu.memory_space<semaphore_mem>>) src(%arg6 : memref<32x1024xf32, #tpu.memory_space<vmem>>) dst(%dma_wait3A_146 : memref<32x1024xf32, #tpu.memory_space<hbm>>)
    %dma_start3A_147 = arith.constant 192 : i32
    %dma_start3A_148 = tpu.memref_slice %arg5[%dma_start3A_147] : memref<512xi32, #tpu.memory_space<vmem>> -> memref<32xi32, #tpu.memory_space<vmem>>
    %dma_start3A_149 = arith.constant 0 : i32
    %dma_start3A_150 = arith.constant 0 : i32
    %dma_start3A_151 = tpu.memref_slice %arg2[%dma_start3A_149, %dma_start3A_150] : memref<100000x1024xf32, #tpu.memory_space<hbm>> -> memref<100000x1024xf32, #tpu.memory_space<hbm>>
    tpu.enqueue_indirect_dma source(%dma_start3A_151 : memref<100000x1024xf32, #tpu.memory_space<hbm>>) target(%arg6 : memref<32x1024xf32, #tpu.memory_space<vmem>>) offsets(%dma_start3A_148 : memref<32xi32, #tpu.memory_space<vmem>>) semaphore(%arg9 : memref<!tpu.dma_semaphore, #tpu.memory_space<semaphore_mem>>)
    %dma_wait3A_152 = arith.constant 128 : i32
    %dma_wait3A_153 = tpu.memref_slice %arg5[%dma_wait3A_152] : memref<512xi32, #tpu.memory_space<vmem>> -> memref<32xi32, #tpu.memory_space<vmem>>
    %dma_wait3A_154 = arith.constant 0 : i32
    %dma_wait3A_155 = arith.constant 0 : i32
    %dma_wait3A_156 = tpu.memref_slice %arg2[%dma_wait3A_154, %dma_wait3A_155] : memref<100000x1024xf32, #tpu.memory_space<hbm>> -> memref<100000x1024xf32, #tpu.memory_space<hbm>>
    tpu.wait_indirect_dma semaphore(%arg10 : memref<!tpu.dma_semaphore, #tpu.memory_space<semaphore_mem>>) src(%dma_wait3A_156 : memref<100000x1024xf32, #tpu.memory_space<hbm>>) dst(%arg7 : memref<32x1024xf32, #tpu.memory_space<vmem>>)
    %add3A_157 = arith.constant 128 : i32
    %add3A_158 = arith.addi %mul3A_32, %add3A_157 : i32
    %dma_start3A_159 = arith.constant 0 : i32
    %dma_start3A_160 = tpu.memref_slice %arg4[%select_n3A, %add3A_158, %dma_start3A_159] : memref<4x4096x1024xf32, #tpu.memory_space<hbm>> -> memref<1x32x1024xf32, #tpu.memory_space<hbm>>
    %dma_start3A_161 = tpu.memref_squeeze %dma_start3A_160 : memref<1x32x1024xf32, #tpu.memory_space<hbm>> -> memref<32x1024xf32, #tpu.memory_space<hbm>>
    %dma_start3A_162 = arith.constant 0 : i32
    %dma_start3A_163 = tpu.memref_slice %arg4[%select_n3A, %add3A_158, %dma_start3A_162] : memref<4x4096x1024xf32, #tpu.memory_space<hbm>> -> memref<1x32x1024xf32, #tpu.memory_space<hbm>>
    %dma_start3A_164 = tpu.memref_squeeze %dma_start3A_163 : memref<1x32x1024xf32, #tpu.memory_space<hbm>> -> memref<32x1024xf32, #tpu.memory_space<hbm>>
    tpu.enqueue_dma source(%arg7 : memref<32x1024xf32, #tpu.memory_space<vmem>>) target(%dma_start3A_164 : memref<32x1024xf32, #tpu.memory_space<hbm>>) target_semaphore(%arg13 : memref<!tpu.dma_semaphore, #tpu.memory_space<semaphore_mem>>)
    %add3A_165 = arith.constant 128 : i32
    %add3A_166 = arith.addi %mul3A_32, %add3A_165 : i32
    %dma_wait3A_167 = arith.constant 0 : i32
    %dma_wait3A_168 = tpu.memref_slice %arg4[%select_n3A, %add3A_166, %dma_wait3A_167] : memref<4x4096x1024xf32, #tpu.memory_space<hbm>> -> memref<1x32x1024xf32, #tpu.memory_space<hbm>>
    %dma_wait3A_169 = tpu.memref_squeeze %dma_wait3A_168 : memref<1x32x1024xf32, #tpu.memory_space<hbm>> -> memref<32x1024xf32, #tpu.memory_space<hbm>>
    %dma_wait3A_170 = arith.constant 0 : i32
    %dma_wait3A_171 = tpu.memref_slice %arg4[%select_n3A, %add3A_166, %dma_wait3A_170] : memref<4x4096x1024xf32, #tpu.memory_space<hbm>> -> memref<1x32x1024xf32, #tpu.memory_space<hbm>>
    %dma_wait3A_172 = tpu.memref_squeeze %dma_wait3A_171 : memref<1x32x1024xf32, #tpu.memory_space<hbm>> -> memref<32x1024xf32, #tpu.memory_space<hbm>>
    tpu.wait_dma2 semaphore(%arg13 : memref<!tpu.dma_semaphore, #tpu.memory_space<semaphore_mem>>) src(%arg7 : memref<32x1024xf32, #tpu.memory_space<vmem>>) dst(%dma_wait3A_172 : memref<32x1024xf32, #tpu.memory_space<hbm>>)
    %dma_start3A_173 = arith.constant 224 : i32
    %dma_start3A_174 = tpu.memref_slice %arg5[%dma_start3A_173] : memref<512xi32, #tpu.memory_space<vmem>> -> memref<32xi32, #tpu.memory_space<vmem>>
    %dma_start3A_175 = arith.constant 0 : i32
    %dma_start3A_176 = arith.constant 0 : i32
    %dma_start3A_177 = tpu.memref_slice %arg2[%dma_start3A_175, %dma_start3A_176] : memref<100000x1024xf32, #tpu.memory_space<hbm>> -> memref<100000x1024xf32, #tpu.memory_space<hbm>>
    tpu.enqueue_indirect_dma source(%dma_start3A_177 : memref<100000x1024xf32, #tpu.memory_space<hbm>>) target(%arg7 : memref<32x1024xf32, #tpu.memory_space<vmem>>) offsets(%dma_start3A_174 : memref<32xi32, #tpu.memory_space<vmem>>) semaphore(%arg10 : memref<!tpu.dma_semaphore, #tpu.memory_space<semaphore_mem>>)
    %dma_wait3A_178 = arith.constant 160 : i32
    %dma_wait3A_179 = tpu.memref_slice %arg5[%dma_wait3A_178] : memref<512xi32, #tpu.memory_space<vmem>> -> memref<32xi32, #tpu.memory_space<vmem>>
    %dma_wait3A_180 = arith.constant 0 : i32
    %dma_wait3A_181 = arith.constant 0 : i32
    %dma_wait3A_182 = tpu.memref_slice %arg2[%dma_wait3A_180, %dma_wait3A_181] : memref<100000x1024xf32, #tpu.memory_space<hbm>> -> memref<100000x1024xf32, #tpu.memory_space<hbm>>
    tpu.wait_indirect_dma semaphore(%arg11 : memref<!tpu.dma_semaphore, #tpu.memory_space<semaphore_mem>>) src(%dma_wait3A_182 : memref<100000x1024xf32, #tpu.memory_space<hbm>>) dst(%arg8 : memref<32x1024xf32, #tpu.memory_space<vmem>>)
    %add3A_183 = arith.constant 160 : i32
    %add3A_184 = arith.addi %mul3A_32, %add3A_183 : i32
    %dma_start3A_185 = arith.constant 0 : i32
    %dma_start3A_186 = tpu.memref_slice %arg4[%select_n3A, %add3A_184, %dma_start3A_185] : memref<4x4096x1024xf32, #tpu.memory_space<hbm>> -> memref<1x32x1024xf32, #tpu.memory_space<hbm>>
    %dma_start3A_187 = tpu.memref_squeeze %dma_start3A_186 : memref<1x32x1024xf32, #tpu.memory_space<hbm>> -> memref<32x1024xf32, #tpu.memory_space<hbm>>
    %dma_start3A_188 = arith.constant 0 : i32
    %dma_start3A_189 = tpu.memref_slice %arg4[%select_n3A, %add3A_184, %dma_start3A_188] : memref<4x4096x1024xf32, #tpu.memory_space<hbm>> -> memref<1x32x1024xf32, #tpu.memory_space<hbm>>
    %dma_start3A_190 = tpu.memref_squeeze %dma_start3A_189 : memref<1x32x1024xf32, #tpu.memory_space<hbm>> -> memref<32x1024xf32, #tpu.memory_space<hbm>>
    tpu.enqueue_dma source(%arg8 : memref<32x1024xf32, #tpu.memory_space<vmem>>) target(%dma_start3A_190 : memref<32x1024xf32, #tpu.memory_space<hbm>>) target_semaphore(%arg14 : memref<!tpu.dma_semaphore, #tpu.memory_space<semaphore_mem>>)
    %add3A_191 = arith.constant 160 : i32
    %add3A_192 = arith.addi %mul3A_32, %add3A_191 : i32
    %dma_wait3A_193 = arith.constant 0 : i32
    %dma_wait3A_194 = tpu.memref_slice %arg4[%select_n3A, %add3A_192, %dma_wait3A_193] : memref<4x4096x1024xf32, #tpu.memory_space<hbm>> -> memref<1x32x1024xf32, #tpu.memory_space<hbm>>
    %dma_wait3A_195 = tpu.memref_squeeze %dma_wait3A_194 : memref<1x32x1024xf32, #tpu.memory_space<hbm>> -> memref<32x1024xf32, #tpu.memory_space<hbm>>
    %dma_wait3A_196 = arith.constant 0 : i32
    %dma_wait3A_197 = tpu.memref_slice %arg4[%select_n3A, %add3A_192, %dma_wait3A_196] : memref<4x4096x1024xf32, #tpu.memory_space<hbm>> -> memref<1x32x1024xf32, #tpu.memory_space<hbm>>
    %dma_wait3A_198 = tpu.memref_squeeze %dma_wait3A_197 : memref<1x32x1024xf32, #tpu.memory_space<hbm>> -> memref<32x1024xf32, #tpu.memory_space<hbm>>
    tpu.wait_dma2 semaphore(%arg14 : memref<!tpu.dma_semaphore, #tpu.memory_space<semaphore_mem>>) src(%arg8 : memref<32x1024xf32, #tpu.memory_space<vmem>>) dst(%dma_wait3A_198 : memref<32x1024xf32, #tpu.memory_space<hbm>>)
    %dma_start3A_199 = arith.constant 256 : i32
    %dma_start3A_200 = tpu.memref_slice %arg5[%dma_start3A_199] : memref<512xi32, #tpu.memory_space<vmem>> -> memref<32xi32, #tpu.memory_space<vmem>>
    %dma_start3A_201 = arith.constant 0 : i32
    %dma_start3A_202 = arith.constant 0 : i32
    %dma_start3A_203 = tpu.memref_slice %arg2[%dma_start3A_201, %dma_start3A_202] : memref<100000x1024xf32, #tpu.memory_space<hbm>> -> memref<100000x1024xf32, #tpu.memory_space<hbm>>
    tpu.enqueue_indirect_dma source(%dma_start3A_203 : memref<100000x1024xf32, #tpu.memory_space<hbm>>) target(%arg8 : memref<32x1024xf32, #tpu.memory_space<vmem>>) offsets(%dma_start3A_200 : memref<32xi32, #tpu.memory_space<vmem>>) semaphore(%arg11 : memref<!tpu.dma_semaphore, #tpu.memory_space<semaphore_mem>>)
    %dma_wait3A_204 = arith.constant 192 : i32
    %dma_wait3A_205 = tpu.memref_slice %arg5[%dma_wait3A_204] : memref<512xi32, #tpu.memory_space<vmem>> -> memref<32xi32, #tpu.memory_space<vmem>>
    %dma_wait3A_206 = arith.constant 0 : i32
    %dma_wait3A_207 = arith.constant 0 : i32
    %dma_wait3A_208 = tpu.memref_slice %arg2[%dma_wait3A_206, %dma_wait3A_207] : memref<100000x1024xf32, #tpu.memory_space<hbm>> -> memref<100000x1024xf32, #tpu.memory_space<hbm>>
    tpu.wait_indirect_dma semaphore(%arg9 : memref<!tpu.dma_semaphore, #tpu.memory_space<semaphore_mem>>) src(%dma_wait3A_208 : memref<100000x1024xf32, #tpu.memory_space<hbm>>) dst(%arg6 : memref<32x1024xf32, #tpu.memory_space<vmem>>)
    %add3A_209 = arith.constant 192 : i32
    %add3A_210 = arith.addi %mul3A_32, %add3A_209 : i32
    %dma_start3A_211 = arith.constant 0 : i32
    %dma_start3A_212 = tpu.memref_slice %arg4[%select_n3A, %add3A_210, %dma_start3A_211] : memref<4x4096x1024xf32, #tpu.memory_space<hbm>> -> memref<1x32x1024xf32, #tpu.memory_space<hbm>>
    %dma_start3A_213 = tpu.memref_squeeze %dma_start3A_212 : memref<1x32x1024xf32, #tpu.memory_space<hbm>> -> memref<32x1024xf32, #tpu.memory_space<hbm>>
    %dma_start3A_214 = arith.constant 0 : i32
    %dma_start3A_215 = tpu.memref_slice %arg4[%select_n3A, %add3A_210, %dma_start3A_214] : memref<4x4096x1024xf32, #tpu.memory_space<hbm>> -> memref<1x32x1024xf32, #tpu.memory_space<hbm>>
    %dma_start3A_216 = tpu.memref_squeeze %dma_start3A_215 : memref<1x32x1024xf32, #tpu.memory_space<hbm>> -> memref<32x1024xf32, #tpu.memory_space<hbm>>
    tpu.enqueue_dma source(%arg6 : memref<32x1024xf32, #tpu.memory_space<vmem>>) target(%dma_start3A_216 : memref<32x1024xf32, #tpu.memory_space<hbm>>) target_semaphore(%arg12 : memref<!tpu.dma_semaphore, #tpu.memory_space<semaphore_mem>>)
    %add3A_217 = arith.constant 192 : i32
    %add3A_218 = arith.addi %mul3A_32, %add3A_217 : i32
    %dma_wait3A_219 = arith.constant 0 : i32
    %dma_wait3A_220 = tpu.memref_slice %arg4[%select_n3A, %add3A_218, %dma_wait3A_219] : memref<4x4096x1024xf32, #tpu.memory_space<hbm>> -> memref<1x32x1024xf32, #tpu.memory_space<hbm>>
    %dma_wait3A_221 = tpu.memref_squeeze %dma_wait3A_220 : memref<1x32x1024xf32, #tpu.memory_space<hbm>> -> memref<32x1024xf32, #tpu.memory_space<hbm>>
    %dma_wait3A_222 = arith.constant 0 : i32
    %dma_wait3A_223 = tpu.memref_slice %arg4[%select_n3A, %add3A_218, %dma_wait3A_222] : memref<4x4096x1024xf32, #tpu.memory_space<hbm>> -> memref<1x32x1024xf32, #tpu.memory_space<hbm>>
    %dma_wait3A_224 = tpu.memref_squeeze %dma_wait3A_223 : memref<1x32x1024xf32, #tpu.memory_space<hbm>> -> memref<32x1024xf32, #tpu.memory_space<hbm>>
    tpu.wait_dma2 semaphore(%arg12 : memref<!tpu.dma_semaphore, #tpu.memory_space<semaphore_mem>>) src(%arg6 : memref<32x1024xf32, #tpu.memory_space<vmem>>) dst(%dma_wait3A_224 : memref<32x1024xf32, #tpu.memory_space<hbm>>)
    %dma_start3A_225 = arith.constant 288 : i32
    %dma_start3A_226 = tpu.memref_slice %arg5[%dma_start3A_225] : memref<512xi32, #tpu.memory_space<vmem>> -> memref<32xi32, #tpu.memory_space<vmem>>
    %dma_start3A_227 = arith.constant 0 : i32
    %dma_start3A_228 = arith.constant 0 : i32
    %dma_start3A_229 = tpu.memref_slice %arg2[%dma_start3A_227, %dma_start3A_228] : memref<100000x1024xf32, #tpu.memory_space<hbm>> -> memref<100000x1024xf32, #tpu.memory_space<hbm>>
    tpu.enqueue_indirect_dma source(%dma_start3A_229 : memref<100000x1024xf32, #tpu.memory_space<hbm>>) target(%arg6 : memref<32x1024xf32, #tpu.memory_space<vmem>>) offsets(%dma_start3A_226 : memref<32xi32, #tpu.memory_space<vmem>>) semaphore(%arg9 : memref<!tpu.dma_semaphore, #tpu.memory_space<semaphore_mem>>)
    %dma_wait3A_230 = arith.constant 224 : i32
    %dma_wait3A_231 = tpu.memref_slice %arg5[%dma_wait3A_230] : memref<512xi32, #tpu.memory_space<vmem>> -> memref<32xi32, #tpu.memory_space<vmem>>
    %dma_wait3A_232 = arith.constant 0 : i32
    %dma_wait3A_233 = arith.constant 0 : i32
    %dma_wait3A_234 = tpu.memref_slice %arg2[%dma_wait3A_232, %dma_wait3A_233] : memref<100000x1024xf32, #tpu.memory_space<hbm>> -> memref<100000x1024xf32, #tpu.memory_space<hbm>>
    tpu.wait_indirect_dma semaphore(%arg10 : memref<!tpu.dma_semaphore, #tpu.memory_space<semaphore_mem>>) src(%dma_wait3A_234 : memref<100000x1024xf32, #tpu.memory_space<hbm>>) dst(%arg7 : memref<32x1024xf32, #tpu.memory_space<vmem>>)
    %add3A_235 = arith.constant 224 : i32
    %add3A_236 = arith.addi %mul3A_32, %add3A_235 : i32
    %dma_start3A_237 = arith.constant 0 : i32
    %dma_start3A_238 = tpu.memref_slice %arg4[%select_n3A, %add3A_236, %dma_start3A_237] : memref<4x4096x1024xf32, #tpu.memory_space<hbm>> -> memref<1x32x1024xf32, #tpu.memory_space<hbm>>
    %dma_start3A_239 = tpu.memref_squeeze %dma_start3A_238 : memref<1x32x1024xf32, #tpu.memory_space<hbm>> -> memref<32x1024xf32, #tpu.memory_space<hbm>>
    %dma_start3A_240 = arith.constant 0 : i32
    %dma_start3A_241 = tpu.memref_slice %arg4[%select_n3A, %add3A_236, %dma_start3A_240] : memref<4x4096x1024xf32, #tpu.memory_space<hbm>> -> memref<1x32x1024xf32, #tpu.memory_space<hbm>>
    %dma_start3A_242 = tpu.memref_squeeze %dma_start3A_241 : memref<1x32x1024xf32, #tpu.memory_space<hbm>> -> memref<32x1024xf32, #tpu.memory_space<hbm>>
    tpu.enqueue_dma source(%arg7 : memref<32x1024xf32, #tpu.memory_space<vmem>>) target(%dma_start3A_242 : memref<32x1024xf32, #tpu.memory_space<hbm>>) target_semaphore(%arg13 : memref<!tpu.dma_semaphore, #tpu.memory_space<semaphore_mem>>)
    %add3A_243 = arith.constant 224 : i32
    %add3A_244 = arith.addi %mul3A_32, %add3A_243 : i32
    %dma_wait3A_245 = arith.constant 0 : i32
    %dma_wait3A_246 = tpu.memref_slice %arg4[%select_n3A, %add3A_244, %dma_wait3A_245] : memref<4x4096x1024xf32, #tpu.memory_space<hbm>> -> memref<1x32x1024xf32, #tpu.memory_space<hbm>>
    %dma_wait3A_247 = tpu.memref_squeeze %dma_wait3A_246 : memref<1x32x1024xf32, #tpu.memory_space<hbm>> -> memref<32x1024xf32, #tpu.memory_space<hbm>>
    %dma_wait3A_248 = arith.constant 0 : i32
    %dma_wait3A_249 = tpu.memref_slice %arg4[%select_n3A, %add3A_244, %dma_wait3A_248] : memref<4x4096x1024xf32, #tpu.memory_space<hbm>> -> memref<1x32x1024xf32, #tpu.memory_space<hbm>>
    %dma_wait3A_250 = tpu.memref_squeeze %dma_wait3A_249 : memref<1x32x1024xf32, #tpu.memory_space<hbm>> -> memref<32x1024xf32, #tpu.memory_space<hbm>>
    tpu.wait_dma2 semaphore(%arg13 : memref<!tpu.dma_semaphore, #tpu.memory_space<semaphore_mem>>) src(%arg7 : memref<32x1024xf32, #tpu.memory_space<vmem>>) dst(%dma_wait3A_250 : memref<32x1024xf32, #tpu.memory_space<hbm>>)
    %dma_start3A_251 = arith.constant 320 : i32
    %dma_start3A_252 = tpu.memref_slice %arg5[%dma_start3A_251] : memref<512xi32, #tpu.memory_space<vmem>> -> memref<32xi32, #tpu.memory_space<vmem>>
    %dma_start3A_253 = arith.constant 0 : i32
    %dma_start3A_254 = arith.constant 0 : i32
    %dma_start3A_255 = tpu.memref_slice %arg2[%dma_start3A_253, %dma_start3A_254] : memref<100000x1024xf32, #tpu.memory_space<hbm>> -> memref<100000x1024xf32, #tpu.memory_space<hbm>>
    tpu.enqueue_indirect_dma source(%dma_start3A_255 : memref<100000x1024xf32, #tpu.memory_space<hbm>>) target(%arg7 : memref<32x1024xf32, #tpu.memory_space<vmem>>) offsets(%dma_start3A_252 : memref<32xi32, #tpu.memory_space<vmem>>) semaphore(%arg10 : memref<!tpu.dma_semaphore, #tpu.memory_space<semaphore_mem>>)
    %dma_wait3A_256 = arith.constant 256 : i32
    %dma_wait3A_257 = tpu.memref_slice %arg5[%dma_wait3A_256] : memref<512xi32, #tpu.memory_space<vmem>> -> memref<32xi32, #tpu.memory_space<vmem>>
    %dma_wait3A_258 = arith.constant 0 : i32
    %dma_wait3A_259 = arith.constant 0 : i32
    %dma_wait3A_260 = tpu.memref_slice %arg2[%dma_wait3A_258, %dma_wait3A_259] : memref<100000x1024xf32, #tpu.memory_space<hbm>> -> memref<100000x1024xf32, #tpu.memory_space<hbm>>
    tpu.wait_indirect_dma semaphore(%arg11 : memref<!tpu.dma_semaphore, #tpu.memory_space<semaphore_mem>>) src(%dma_wait3A_260 : memref<100000x1024xf32, #tpu.memory_space<hbm>>) dst(%arg8 : memref<32x1024xf32, #tpu.memory_space<vmem>>)
    %add3A_261 = arith.constant 256 : i32
    %add3A_262 = arith.addi %mul3A_32, %add3A_261 : i32
    %dma_start3A_263 = arith.constant 0 : i32
    %dma_start3A_264 = tpu.memref_slice %arg4[%select_n3A, %add3A_262, %dma_start3A_263] : memref<4x4096x1024xf32, #tpu.memory_space<hbm>> -> memref<1x32x1024xf32, #tpu.memory_space<hbm>>
    %dma_start3A_265 = tpu.memref_squeeze %dma_start3A_264 : memref<1x32x1024xf32, #tpu.memory_space<hbm>> -> memref<32x1024xf32, #tpu.memory_space<hbm>>
    %dma_start3A_266 = arith.constant 0 : i32
    %dma_start3A_267 = tpu.memref_slice %arg4[%select_n3A, %add3A_262, %dma_start3A_266] : memref<4x4096x1024xf32, #tpu.memory_space<hbm>> -> memref<1x32x1024xf32, #tpu.memory_space<hbm>>
    %dma_start3A_268 = tpu.memref_squeeze %dma_start3A_267 : memref<1x32x1024xf32, #tpu.memory_space<hbm>> -> memref<32x1024xf32, #tpu.memory_space<hbm>>
    tpu.enqueue_dma source(%arg8 : memref<32x1024xf32, #tpu.memory_space<vmem>>) target(%dma_start3A_268 : memref<32x1024xf32, #tpu.memory_space<hbm>>) target_semaphore(%arg14 : memref<!tpu.dma_semaphore, #tpu.memory_space<semaphore_mem>>)
    %add3A_269 = arith.constant 256 : i32
    %add3A_270 = arith.addi %mul3A_32, %add3A_269 : i32
    %dma_wait3A_271 = arith.constant 0 : i32
    %dma_wait3A_272 = tpu.memref_slice %arg4[%select_n3A, %add3A_270, %dma_wait3A_271] : memref<4x4096x1024xf32, #tpu.memory_space<hbm>> -> memref<1x32x1024xf32, #tpu.memory_space<hbm>>
    %dma_wait3A_273 = tpu.memref_squeeze %dma_wait3A_272 : memref<1x32x1024xf32, #tpu.memory_space<hbm>> -> memref<32x1024xf32, #tpu.memory_space<hbm>>
    %dma_wait3A_274 = arith.constant 0 : i32
    %dma_wait3A_275 = tpu.memref_slice %arg4[%select_n3A, %add3A_270, %dma_wait3A_274] : memref<4x4096x1024xf32, #tpu.memory_space<hbm>> -> memref<1x32x1024xf32, #tpu.memory_space<hbm>>
    %dma_wait3A_276 = tpu.memref_squeeze %dma_wait3A_275 : memref<1x32x1024xf32, #tpu.memory_space<hbm>> -> memref<32x1024xf32, #tpu.memory_space<hbm>>
    tpu.wait_dma2 semaphore(%arg14 : memref<!tpu.dma_semaphore, #tpu.memory_space<semaphore_mem>>) src(%arg8 : memref<32x1024xf32, #tpu.memory_space<vmem>>) dst(%dma_wait3A_276 : memref<32x1024xf32, #tpu.memory_space<hbm>>)
    %dma_start3A_277 = arith.constant 352 : i32
    %dma_start3A_278 = tpu.memref_slice %arg5[%dma_start3A_277] : memref<512xi32, #tpu.memory_space<vmem>> -> memref<32xi32, #tpu.memory_space<vmem>>
    %dma_start3A_279 = arith.constant 0 : i32
    %dma_start3A_280 = arith.constant 0 : i32
    %dma_start3A_281 = tpu.memref_slice %arg2[%dma_start3A_279, %dma_start3A_280] : memref<100000x1024xf32, #tpu.memory_space<hbm>> -> memref<100000x1024xf32, #tpu.memory_space<hbm>>
    tpu.enqueue_indirect_dma source(%dma_start3A_281 : memref<100000x1024xf32, #tpu.memory_space<hbm>>) target(%arg8 : memref<32x1024xf32, #tpu.memory_space<vmem>>) offsets(%dma_start3A_278 : memref<32xi32, #tpu.memory_space<vmem>>) semaphore(%arg11 : memref<!tpu.dma_semaphore, #tpu.memory_space<semaphore_mem>>)
    %dma_wait3A_282 = arith.constant 288 : i32
    %dma_wait3A_283 = tpu.memref_slice %arg5[%dma_wait3A_282] : memref<512xi32, #tpu.memory_space<vmem>> -> memref<32xi32, #tpu.memory_space<vmem>>
    %dma_wait3A_284 = arith.constant 0 : i32
    %dma_wait3A_285 = arith.constant 0 : i32
    %dma_wait3A_286 = tpu.memref_slice %arg2[%dma_wait3A_284, %dma_wait3A_285] : memref<100000x1024xf32, #tpu.memory_space<hbm>> -> memref<100000x1024xf32, #tpu.memory_space<hbm>>
    tpu.wait_indirect_dma semaphore(%arg9 : memref<!tpu.dma_semaphore, #tpu.memory_space<semaphore_mem>>) src(%dma_wait3A_286 : memref<100000x1024xf32, #tpu.memory_space<hbm>>) dst(%arg6 : memref<32x1024xf32, #tpu.memory_space<vmem>>)
    %add3A_287 = arith.constant 288 : i32
    %add3A_288 = arith.addi %mul3A_32, %add3A_287 : i32
    %dma_start3A_289 = arith.constant 0 : i32
    %dma_start3A_290 = tpu.memref_slice %arg4[%select_n3A, %add3A_288, %dma_start3A_289] : memref<4x4096x1024xf32, #tpu.memory_space<hbm>> -> memref<1x32x1024xf32, #tpu.memory_space<hbm>>
    %dma_start3A_291 = tpu.memref_squeeze %dma_start3A_290 : memref<1x32x1024xf32, #tpu.memory_space<hbm>> -> memref<32x1024xf32, #tpu.memory_space<hbm>>
    %dma_start3A_292 = arith.constant 0 : i32
    %dma_start3A_293 = tpu.memref_slice %arg4[%select_n3A, %add3A_288, %dma_start3A_292] : memref<4x4096x1024xf32, #tpu.memory_space<hbm>> -> memref<1x32x1024xf32, #tpu.memory_space<hbm>>
    %dma_start3A_294 = tpu.memref_squeeze %dma_start3A_293 : memref<1x32x1024xf32, #tpu.memory_space<hbm>> -> memref<32x1024xf32, #tpu.memory_space<hbm>>
    tpu.enqueue_dma source(%arg6 : memref<32x1024xf32, #tpu.memory_space<vmem>>) target(%dma_start3A_294 : memref<32x1024xf32, #tpu.memory_space<hbm>>) target_semaphore(%arg12 : memref<!tpu.dma_semaphore, #tpu.memory_space<semaphore_mem>>)
    %add3A_295 = arith.constant 288 : i32
    %add3A_296 = arith.addi %mul3A_32, %add3A_295 : i32
    %dma_wait3A_297 = arith.constant 0 : i32
    %dma_wait3A_298 = tpu.memref_slice %arg4[%select_n3A, %add3A_296, %dma_wait3A_297] : memref<4x4096x1024xf32, #tpu.memory_space<hbm>> -> memref<1x32x1024xf32, #tpu.memory_space<hbm>>
    %dma_wait3A_299 = tpu.memref_squeeze %dma_wait3A_298 : memref<1x32x1024xf32, #tpu.memory_space<hbm>> -> memref<32x1024xf32, #tpu.memory_space<hbm>>
    %dma_wait3A_300 = arith.constant 0 : i32
    %dma_wait3A_301 = tpu.memref_slice %arg4[%select_n3A, %add3A_296, %dma_wait3A_300] : memref<4x4096x1024xf32, #tpu.memory_space<hbm>> -> memref<1x32x1024xf32, #tpu.memory_space<hbm>>
    %dma_wait3A_302 = tpu.memref_squeeze %dma_wait3A_301 : memref<1x32x1024xf32, #tpu.memory_space<hbm>> -> memref<32x1024xf32, #tpu.memory_space<hbm>>
    tpu.wait_dma2 semaphore(%arg12 : memref<!tpu.dma_semaphore, #tpu.memory_space<semaphore_mem>>) src(%arg6 : memref<32x1024xf32, #tpu.memory_space<vmem>>) dst(%dma_wait3A_302 : memref<32x1024xf32, #tpu.memory_space<hbm>>)
    %dma_start3A_303 = arith.constant 384 : i32
    %dma_start3A_304 = tpu.memref_slice %arg5[%dma_start3A_303] : memref<512xi32, #tpu.memory_space<vmem>> -> memref<32xi32, #tpu.memory_space<vmem>>
    %dma_start3A_305 = arith.constant 0 : i32
    %dma_start3A_306 = arith.constant 0 : i32
    %dma_start3A_307 = tpu.memref_slice %arg2[%dma_start3A_305, %dma_start3A_306] : memref<100000x1024xf32, #tpu.memory_space<hbm>> -> memref<100000x1024xf32, #tpu.memory_space<hbm>>
    tpu.enqueue_indirect_dma source(%dma_start3A_307 : memref<100000x1024xf32, #tpu.memory_space<hbm>>) target(%arg6 : memref<32x1024xf32, #tpu.memory_space<vmem>>) offsets(%dma_start3A_304 : memref<32xi32, #tpu.memory_space<vmem>>) semaphore(%arg9 : memref<!tpu.dma_semaphore, #tpu.memory_space<semaphore_mem>>)
    %dma_wait3A_308 = arith.constant 320 : i32
    %dma_wait3A_309 = tpu.memref_slice %arg5[%dma_wait3A_308] : memref<512xi32, #tpu.memory_space<vmem>> -> memref<32xi32, #tpu.memory_space<vmem>>
    %dma_wait3A_310 = arith.constant 0 : i32
    %dma_wait3A_311 = arith.constant 0 : i32
    %dma_wait3A_312 = tpu.memref_slice %arg2[%dma_wait3A_310, %dma_wait3A_311] : memref<100000x1024xf32, #tpu.memory_space<hbm>> -> memref<100000x1024xf32, #tpu.memory_space<hbm>>
    tpu.wait_indirect_dma semaphore(%arg10 : memref<!tpu.dma_semaphore, #tpu.memory_space<semaphore_mem>>) src(%dma_wait3A_312 : memref<100000x1024xf32, #tpu.memory_space<hbm>>) dst(%arg7 : memref<32x1024xf32, #tpu.memory_space<vmem>>)
    %add3A_313 = arith.constant 320 : i32
    %add3A_314 = arith.addi %mul3A_32, %add3A_313 : i32
    %dma_start3A_315 = arith.constant 0 : i32
    %dma_start3A_316 = tpu.memref_slice %arg4[%select_n3A, %add3A_314, %dma_start3A_315] : memref<4x4096x1024xf32, #tpu.memory_space<hbm>> -> memref<1x32x1024xf32, #tpu.memory_space<hbm>>
    %dma_start3A_317 = tpu.memref_squeeze %dma_start3A_316 : memref<1x32x1024xf32, #tpu.memory_space<hbm>> -> memref<32x1024xf32, #tpu.memory_space<hbm>>
    %dma_start3A_318 = arith.constant 0 : i32
    %dma_start3A_319 = tpu.memref_slice %arg4[%select_n3A, %add3A_314, %dma_start3A_318] : memref<4x4096x1024xf32, #tpu.memory_space<hbm>> -> memref<1x32x1024xf32, #tpu.memory_space<hbm>>
    %dma_start3A_320 = tpu.memref_squeeze %dma_start3A_319 : memref<1x32x1024xf32, #tpu.memory_space<hbm>> -> memref<32x1024xf32, #tpu.memory_space<hbm>>
    tpu.enqueue_dma source(%arg7 : memref<32x1024xf32, #tpu.memory_space<vmem>>) target(%dma_start3A_320 : memref<32x1024xf32, #tpu.memory_space<hbm>>) target_semaphore(%arg13 : memref<!tpu.dma_semaphore, #tpu.memory_space<semaphore_mem>>)
    %add3A_321 = arith.constant 320 : i32
    %add3A_322 = arith.addi %mul3A_32, %add3A_321 : i32
    %dma_wait3A_323 = arith.constant 0 : i32
    %dma_wait3A_324 = tpu.memref_slice %arg4[%select_n3A, %add3A_322, %dma_wait3A_323] : memref<4x4096x1024xf32, #tpu.memory_space<hbm>> -> memref<1x32x1024xf32, #tpu.memory_space<hbm>>
    %dma_wait3A_325 = tpu.memref_squeeze %dma_wait3A_324 : memref<1x32x1024xf32, #tpu.memory_space<hbm>> -> memref<32x1024xf32, #tpu.memory_space<hbm>>
    %dma_wait3A_326 = arith.constant 0 : i32
    %dma_wait3A_327 = tpu.memref_slice %arg4[%select_n3A, %add3A_322, %dma_wait3A_326] : memref<4x4096x1024xf32, #tpu.memory_space<hbm>> -> memref<1x32x1024xf32, #tpu.memory_space<hbm>>
    %dma_wait3A_328 = tpu.memref_squeeze %dma_wait3A_327 : memref<1x32x1024xf32, #tpu.memory_space<hbm>> -> memref<32x1024xf32, #tpu.memory_space<hbm>>
    tpu.wait_dma2 semaphore(%arg13 : memref<!tpu.dma_semaphore, #tpu.memory_space<semaphore_mem>>) src(%arg7 : memref<32x1024xf32, #tpu.memory_space<vmem>>) dst(%dma_wait3A_328 : memref<32x1024xf32, #tpu.memory_space<hbm>>)
    %dma_start3A_329 = arith.constant 416 : i32
    %dma_start3A_330 = tpu.memref_slice %arg5[%dma_start3A_329] : memref<512xi32, #tpu.memory_space<vmem>> -> memref<32xi32, #tpu.memory_space<vmem>>
    %dma_start3A_331 = arith.constant 0 : i32
    %dma_start3A_332 = arith.constant 0 : i32
    %dma_start3A_333 = tpu.memref_slice %arg2[%dma_start3A_331, %dma_start3A_332] : memref<100000x1024xf32, #tpu.memory_space<hbm>> -> memref<100000x1024xf32, #tpu.memory_space<hbm>>
    tpu.enqueue_indirect_dma source(%dma_start3A_333 : memref<100000x1024xf32, #tpu.memory_space<hbm>>) target(%arg7 : memref<32x1024xf32, #tpu.memory_space<vmem>>) offsets(%dma_start3A_330 : memref<32xi32, #tpu.memory_space<vmem>>) semaphore(%arg10 : memref<!tpu.dma_semaphore, #tpu.memory_space<semaphore_mem>>)
    %dma_wait3A_334 = arith.constant 352 : i32
    %dma_wait3A_335 = tpu.memref_slice %arg5[%dma_wait3A_334] : memref<512xi32, #tpu.memory_space<vmem>> -> memref<32xi32, #tpu.memory_space<vmem>>
    %dma_wait3A_336 = arith.constant 0 : i32
    %dma_wait3A_337 = arith.constant 0 : i32
    %dma_wait3A_338 = tpu.memref_slice %arg2[%dma_wait3A_336, %dma_wait3A_337] : memref<100000x1024xf32, #tpu.memory_space<hbm>> -> memref<100000x1024xf32, #tpu.memory_space<hbm>>
    tpu.wait_indirect_dma semaphore(%arg11 : memref<!tpu.dma_semaphore, #tpu.memory_space<semaphore_mem>>) src(%dma_wait3A_338 : memref<100000x1024xf32, #tpu.memory_space<hbm>>) dst(%arg8 : memref<32x1024xf32, #tpu.memory_space<vmem>>)
    %add3A_339 = arith.constant 352 : i32
    %add3A_340 = arith.addi %mul3A_32, %add3A_339 : i32
    %dma_start3A_341 = arith.constant 0 : i32
    %dma_start3A_342 = tpu.memref_slice %arg4[%select_n3A, %add3A_340, %dma_start3A_341] : memref<4x4096x1024xf32, #tpu.memory_space<hbm>> -> memref<1x32x1024xf32, #tpu.memory_space<hbm>>
    %dma_start3A_343 = tpu.memref_squeeze %dma_start3A_342 : memref<1x32x1024xf32, #tpu.memory_space<hbm>> -> memref<32x1024xf32, #tpu.memory_space<hbm>>
    %dma_start3A_344 = arith.constant 0 : i32
    %dma_start3A_345 = tpu.memref_slice %arg4[%select_n3A, %add3A_340, %dma_start3A_344] : memref<4x4096x1024xf32, #tpu.memory_space<hbm>> -> memref<1x32x1024xf32, #tpu.memory_space<hbm>>
    %dma_start3A_346 = tpu.memref_squeeze %dma_start3A_345 : memref<1x32x1024xf32, #tpu.memory_space<hbm>> -> memref<32x1024xf32, #tpu.memory_space<hbm>>
    tpu.enqueue_dma source(%arg8 : memref<32x1024xf32, #tpu.memory_space<vmem>>) target(%dma_start3A_346 : memref<32x1024xf32, #tpu.memory_space<hbm>>) target_semaphore(%arg14 : memref<!tpu.dma_semaphore, #tpu.memory_space<semaphore_mem>>)
    %add3A_347 = arith.constant 352 : i32
    %add3A_348 = arith.addi %mul3A_32, %add3A_347 : i32
    %dma_wait3A_349 = arith.constant 0 : i32
    %dma_wait3A_350 = tpu.memref_slice %arg4[%select_n3A, %add3A_348, %dma_wait3A_349] : memref<4x4096x1024xf32, #tpu.memory_space<hbm>> -> memref<1x32x1024xf32, #tpu.memory_space<hbm>>
    %dma_wait3A_351 = tpu.memref_squeeze %dma_wait3A_350 : memref<1x32x1024xf32, #tpu.memory_space<hbm>> -> memref<32x1024xf32, #tpu.memory_space<hbm>>
    %dma_wait3A_352 = arith.constant 0 : i32
    %dma_wait3A_353 = tpu.memref_slice %arg4[%select_n3A, %add3A_348, %dma_wait3A_352] : memref<4x4096x1024xf32, #tpu.memory_space<hbm>> -> memref<1x32x1024xf32, #tpu.memory_space<hbm>>
    %dma_wait3A_354 = tpu.memref_squeeze %dma_wait3A_353 : memref<1x32x1024xf32, #tpu.memory_space<hbm>> -> memref<32x1024xf32, #tpu.memory_space<hbm>>
    tpu.wait_dma2 semaphore(%arg14 : memref<!tpu.dma_semaphore, #tpu.memory_space<semaphore_mem>>) src(%arg8 : memref<32x1024xf32, #tpu.memory_space<vmem>>) dst(%dma_wait3A_354 : memref<32x1024xf32, #tpu.memory_space<hbm>>)
    %dma_start3A_355 = arith.constant 448 : i32
    %dma_start3A_356 = tpu.memref_slice %arg5[%dma_start3A_355] : memref<512xi32, #tpu.memory_space<vmem>> -> memref<32xi32, #tpu.memory_space<vmem>>
    %dma_start3A_357 = arith.constant 0 : i32
    %dma_start3A_358 = arith.constant 0 : i32
    %dma_start3A_359 = tpu.memref_slice %arg2[%dma_start3A_357, %dma_start3A_358] : memref<100000x1024xf32, #tpu.memory_space<hbm>> -> memref<100000x1024xf32, #tpu.memory_space<hbm>>
    tpu.enqueue_indirect_dma source(%dma_start3A_359 : memref<100000x1024xf32, #tpu.memory_space<hbm>>) target(%arg8 : memref<32x1024xf32, #tpu.memory_space<vmem>>) offsets(%dma_start3A_356 : memref<32xi32, #tpu.memory_space<vmem>>) semaphore(%arg11 : memref<!tpu.dma_semaphore, #tpu.memory_space<semaphore_mem>>)
    %dma_wait3A_360 = arith.constant 384 : i32
    %dma_wait3A_361 = tpu.memref_slice %arg5[%dma_wait3A_360] : memref<512xi32, #tpu.memory_space<vmem>> -> memref<32xi32, #tpu.memory_space<vmem>>
    %dma_wait3A_362 = arith.constant 0 : i32
    %dma_wait3A_363 = arith.constant 0 : i32
    %dma_wait3A_364 = tpu.memref_slice %arg2[%dma_wait3A_362, %dma_wait3A_363] : memref<100000x1024xf32, #tpu.memory_space<hbm>> -> memref<100000x1024xf32, #tpu.memory_space<hbm>>
    tpu.wait_indirect_dma semaphore(%arg9 : memref<!tpu.dma_semaphore, #tpu.memory_space<semaphore_mem>>) src(%dma_wait3A_364 : memref<100000x1024xf32, #tpu.memory_space<hbm>>) dst(%arg6 : memref<32x1024xf32, #tpu.memory_space<vmem>>)
    %add3A_365 = arith.constant 384 : i32
    %add3A_366 = arith.addi %mul3A_32, %add3A_365 : i32
    %dma_start3A_367 = arith.constant 0 : i32
    %dma_start3A_368 = tpu.memref_slice %arg4[%select_n3A, %add3A_366, %dma_start3A_367] : memref<4x4096x1024xf32, #tpu.memory_space<hbm>> -> memref<1x32x1024xf32, #tpu.memory_space<hbm>>
    %dma_start3A_369 = tpu.memref_squeeze %dma_start3A_368 : memref<1x32x1024xf32, #tpu.memory_space<hbm>> -> memref<32x1024xf32, #tpu.memory_space<hbm>>
    %dma_start3A_370 = arith.constant 0 : i32
    %dma_start3A_371 = tpu.memref_slice %arg4[%select_n3A, %add3A_366, %dma_start3A_370] : memref<4x4096x1024xf32, #tpu.memory_space<hbm>> -> memref<1x32x1024xf32, #tpu.memory_space<hbm>>
    %dma_start3A_372 = tpu.memref_squeeze %dma_start3A_371 : memref<1x32x1024xf32, #tpu.memory_space<hbm>> -> memref<32x1024xf32, #tpu.memory_space<hbm>>
    tpu.enqueue_dma source(%arg6 : memref<32x1024xf32, #tpu.memory_space<vmem>>) target(%dma_start3A_372 : memref<32x1024xf32, #tpu.memory_space<hbm>>) target_semaphore(%arg12 : memref<!tpu.dma_semaphore, #tpu.memory_space<semaphore_mem>>)
    %add3A_373 = arith.constant 384 : i32
    %add3A_374 = arith.addi %mul3A_32, %add3A_373 : i32
    %dma_wait3A_375 = arith.constant 0 : i32
    %dma_wait3A_376 = tpu.memref_slice %arg4[%select_n3A, %add3A_374, %dma_wait3A_375] : memref<4x4096x1024xf32, #tpu.memory_space<hbm>> -> memref<1x32x1024xf32, #tpu.memory_space<hbm>>
    %dma_wait3A_377 = tpu.memref_squeeze %dma_wait3A_376 : memref<1x32x1024xf32, #tpu.memory_space<hbm>> -> memref<32x1024xf32, #tpu.memory_space<hbm>>
    %dma_wait3A_378 = arith.constant 0 : i32
    %dma_wait3A_379 = tpu.memref_slice %arg4[%select_n3A, %add3A_374, %dma_wait3A_378] : memref<4x4096x1024xf32, #tpu.memory_space<hbm>> -> memref<1x32x1024xf32, #tpu.memory_space<hbm>>
    %dma_wait3A_380 = tpu.memref_squeeze %dma_wait3A_379 : memref<1x32x1024xf32, #tpu.memory_space<hbm>> -> memref<32x1024xf32, #tpu.memory_space<hbm>>
    tpu.wait_dma2 semaphore(%arg12 : memref<!tpu.dma_semaphore, #tpu.memory_space<semaphore_mem>>) src(%arg6 : memref<32x1024xf32, #tpu.memory_space<vmem>>) dst(%dma_wait3A_380 : memref<32x1024xf32, #tpu.memory_space<hbm>>)
    %dma_start3A_381 = arith.constant 480 : i32
    %dma_start3A_382 = tpu.memref_slice %arg5[%dma_start3A_381] : memref<512xi32, #tpu.memory_space<vmem>> -> memref<32xi32, #tpu.memory_space<vmem>>
    %dma_start3A_383 = arith.constant 0 : i32
    %dma_start3A_384 = arith.constant 0 : i32
    %dma_start3A_385 = tpu.memref_slice %arg2[%dma_start3A_383, %dma_start3A_384] : memref<100000x1024xf32, #tpu.memory_space<hbm>> -> memref<100000x1024xf32, #tpu.memory_space<hbm>>
    tpu.enqueue_indirect_dma source(%dma_start3A_385 : memref<100000x1024xf32, #tpu.memory_space<hbm>>) target(%arg6 : memref<32x1024xf32, #tpu.memory_space<vmem>>) offsets(%dma_start3A_382 : memref<32xi32, #tpu.memory_space<vmem>>) semaphore(%arg9 : memref<!tpu.dma_semaphore, #tpu.memory_space<semaphore_mem>>)
    %dma_wait3A_386 = arith.constant 416 : i32
    %dma_wait3A_387 = tpu.memref_slice %arg5[%dma_wait3A_386] : memref<512xi32, #tpu.memory_space<vmem>> -> memref<32xi32, #tpu.memory_space<vmem>>
    %dma_wait3A_388 = arith.constant 0 : i32
    %dma_wait3A_389 = arith.constant 0 : i32
    %dma_wait3A_390 = tpu.memref_slice %arg2[%dma_wait3A_388, %dma_wait3A_389] : memref<100000x1024xf32, #tpu.memory_space<hbm>> -> memref<100000x1024xf32, #tpu.memory_space<hbm>>
    tpu.wait_indirect_dma semaphore(%arg10 : memref<!tpu.dma_semaphore, #tpu.memory_space<semaphore_mem>>) src(%dma_wait3A_390 : memref<100000x1024xf32, #tpu.memory_space<hbm>>) dst(%arg7 : memref<32x1024xf32, #tpu.memory_space<vmem>>)
    %add3A_391 = arith.constant 416 : i32
    %add3A_392 = arith.addi %mul3A_32, %add3A_391 : i32
    %dma_start3A_393 = arith.constant 0 : i32
    %dma_start3A_394 = tpu.memref_slice %arg4[%select_n3A, %add3A_392, %dma_start3A_393] : memref<4x4096x1024xf32, #tpu.memory_space<hbm>> -> memref<1x32x1024xf32, #tpu.memory_space<hbm>>
    %dma_start3A_395 = tpu.memref_squeeze %dma_start3A_394 : memref<1x32x1024xf32, #tpu.memory_space<hbm>> -> memref<32x1024xf32, #tpu.memory_space<hbm>>
    %dma_start3A_396 = arith.constant 0 : i32
    %dma_start3A_397 = tpu.memref_slice %arg4[%select_n3A, %add3A_392, %dma_start3A_396] : memref<4x4096x1024xf32, #tpu.memory_space<hbm>> -> memref<1x32x1024xf32, #tpu.memory_space<hbm>>
    %dma_start3A_398 = tpu.memref_squeeze %dma_start3A_397 : memref<1x32x1024xf32, #tpu.memory_space<hbm>> -> memref<32x1024xf32, #tpu.memory_space<hbm>>
    tpu.enqueue_dma source(%arg7 : memref<32x1024xf32, #tpu.memory_space<vmem>>) target(%dma_start3A_398 : memref<32x1024xf32, #tpu.memory_space<hbm>>) target_semaphore(%arg13 : memref<!tpu.dma_semaphore, #tpu.memory_space<semaphore_mem>>)
    %dma_wait3A_399 = arith.constant 448 : i32
    %dma_wait3A_400 = tpu.memref_slice %arg5[%dma_wait3A_399] : memref<512xi32, #tpu.memory_space<vmem>> -> memref<32xi32, #tpu.memory_space<vmem>>
    %dma_wait3A_401 = arith.constant 0 : i32
    %dma_wait3A_402 = arith.constant 0 : i32
    %dma_wait3A_403 = tpu.memref_slice %arg2[%dma_wait3A_401, %dma_wait3A_402] : memref<100000x1024xf32, #tpu.memory_space<hbm>> -> memref<100000x1024xf32, #tpu.memory_space<hbm>>
    tpu.wait_indirect_dma semaphore(%arg11 : memref<!tpu.dma_semaphore, #tpu.memory_space<semaphore_mem>>) src(%dma_wait3A_403 : memref<100000x1024xf32, #tpu.memory_space<hbm>>) dst(%arg8 : memref<32x1024xf32, #tpu.memory_space<vmem>>)
    %add3A_404 = arith.constant 448 : i32
    %add3A_405 = arith.addi %mul3A_32, %add3A_404 : i32
    %dma_start3A_406 = arith.constant 0 : i32
    %dma_start3A_407 = tpu.memref_slice %arg4[%select_n3A, %add3A_405, %dma_start3A_406] : memref<4x4096x1024xf32, #tpu.memory_space<hbm>> -> memref<1x32x1024xf32, #tpu.memory_space<hbm>>
    %dma_start3A_408 = tpu.memref_squeeze %dma_start3A_407 : memref<1x32x1024xf32, #tpu.memory_space<hbm>> -> memref<32x1024xf32, #tpu.memory_space<hbm>>
    %dma_start3A_409 = arith.constant 0 : i32
    %dma_start3A_410 = tpu.memref_slice %arg4[%select_n3A, %add3A_405, %dma_start3A_409] : memref<4x4096x1024xf32, #tpu.memory_space<hbm>> -> memref<1x32x1024xf32, #tpu.memory_space<hbm>>
    %dma_start3A_411 = tpu.memref_squeeze %dma_start3A_410 : memref<1x32x1024xf32, #tpu.memory_space<hbm>> -> memref<32x1024xf32, #tpu.memory_space<hbm>>
    tpu.enqueue_dma source(%arg8 : memref<32x1024xf32, #tpu.memory_space<vmem>>) target(%dma_start3A_411 : memref<32x1024xf32, #tpu.memory_space<hbm>>) target_semaphore(%arg14 : memref<!tpu.dma_semaphore, #tpu.memory_space<semaphore_mem>>)
    %dma_wait3A_412 = arith.constant 480 : i32
    %dma_wait3A_413 = tpu.memref_slice %arg5[%dma_wait3A_412] : memref<512xi32, #tpu.memory_space<vmem>> -> memref<32xi32, #tpu.memory_space<vmem>>
    %dma_wait3A_414 = arith.constant 0 : i32
    %dma_wait3A_415 = arith.constant 0 : i32
    %dma_wait3A_416 = tpu.memref_slice %arg2[%dma_wait3A_414, %dma_wait3A_415] : memref<100000x1024xf32, #tpu.memory_space<hbm>> -> memref<100000x1024xf32, #tpu.memory_space<hbm>>
    tpu.wait_indirect_dma semaphore(%arg9 : memref<!tpu.dma_semaphore, #tpu.memory_space<semaphore_mem>>) src(%dma_wait3A_416 : memref<100000x1024xf32, #tpu.memory_space<hbm>>) dst(%arg6 : memref<32x1024xf32, #tpu.memory_space<vmem>>)
    %add3A_417 = arith.constant 480 : i32
    %add3A_418 = arith.addi %mul3A_32, %add3A_417 : i32
    %dma_start3A_419 = arith.constant 0 : i32
    %dma_start3A_420 = tpu.memref_slice %arg4[%select_n3A, %add3A_418, %dma_start3A_419] : memref<4x4096x1024xf32, #tpu.memory_space<hbm>> -> memref<1x32x1024xf32, #tpu.memory_space<hbm>>
    %dma_start3A_421 = tpu.memref_squeeze %dma_start3A_420 : memref<1x32x1024xf32, #tpu.memory_space<hbm>> -> memref<32x1024xf32, #tpu.memory_space<hbm>>
    %dma_start3A_422 = arith.constant 0 : i32
    %dma_start3A_423 = tpu.memref_slice %arg4[%select_n3A, %add3A_418, %dma_start3A_422] : memref<4x4096x1024xf32, #tpu.memory_space<hbm>> -> memref<1x32x1024xf32, #tpu.memory_space<hbm>>
    %dma_start3A_424 = tpu.memref_squeeze %dma_start3A_423 : memref<1x32x1024xf32, #tpu.memory_space<hbm>> -> memref<32x1024xf32, #tpu.memory_space<hbm>>
    tpu.enqueue_dma source(%arg6 : memref<32x1024xf32, #tpu.memory_space<vmem>>) target(%dma_start3A_424 : memref<32x1024xf32, #tpu.memory_space<hbm>>) target_semaphore(%arg12 : memref<!tpu.dma_semaphore, #tpu.memory_space<semaphore_mem>>)
    %add3A_425 = arith.constant 416 : i32
    %add3A_426 = arith.addi %mul3A_32, %add3A_425 : i32
    %dma_wait3A_427 = arith.constant 0 : i32
    %dma_wait3A_428 = tpu.memref_slice %arg4[%select_n3A, %add3A_426, %dma_wait3A_427] : memref<4x4096x1024xf32, #tpu.memory_space<hbm>> -> memref<1x32x1024xf32, #tpu.memory_space<hbm>>
    %dma_wait3A_429 = tpu.memref_squeeze %dma_wait3A_428 : memref<1x32x1024xf32, #tpu.memory_space<hbm>> -> memref<32x1024xf32, #tpu.memory_space<hbm>>
    %dma_wait3A_430 = arith.constant 0 : i32
    %dma_wait3A_431 = tpu.memref_slice %arg4[%select_n3A, %add3A_426, %dma_wait3A_430] : memref<4x4096x1024xf32, #tpu.memory_space<hbm>> -> memref<1x32x1024xf32, #tpu.memory_space<hbm>>
    %dma_wait3A_432 = tpu.memref_squeeze %dma_wait3A_431 : memref<1x32x1024xf32, #tpu.memory_space<hbm>> -> memref<32x1024xf32, #tpu.memory_space<hbm>>
    tpu.wait_dma2 semaphore(%arg13 : memref<!tpu.dma_semaphore, #tpu.memory_space<semaphore_mem>>) src(%arg7 : memref<32x1024xf32, #tpu.memory_space<vmem>>) dst(%dma_wait3A_432 : memref<32x1024xf32, #tpu.memory_space<hbm>>)
    %add3A_433 = arith.constant 448 : i32
    %add3A_434 = arith.addi %mul3A_32, %add3A_433 : i32
    %dma_wait3A_435 = arith.constant 0 : i32
    %dma_wait3A_436 = tpu.memref_slice %arg4[%select_n3A, %add3A_434, %dma_wait3A_435] : memref<4x4096x1024xf32, #tpu.memory_space<hbm>> -> memref<1x32x1024xf32, #tpu.memory_space<hbm>>
    %dma_wait3A_437 = tpu.memref_squeeze %dma_wait3A_436 : memref<1x32x1024xf32, #tpu.memory_space<hbm>> -> memref<32x1024xf32, #tpu.memory_space<hbm>>
    %dma_wait3A_438 = arith.constant 0 : i32
    %dma_wait3A_439 = tpu.memref_slice %arg4[%select_n3A, %add3A_434, %dma_wait3A_438] : memref<4x4096x1024xf32, #tpu.memory_space<hbm>> -> memref<1x32x1024xf32, #tpu.memory_space<hbm>>
    %dma_wait3A_440 = tpu.memref_squeeze %dma_wait3A_439 : memref<1x32x1024xf32, #tpu.memory_space<hbm>> -> memref<32x1024xf32, #tpu.memory_space<hbm>>
    tpu.wait_dma2 semaphore(%arg14 : memref<!tpu.dma_semaphore, #tpu.memory_space<semaphore_mem>>) src(%arg8 : memref<32x1024xf32, #tpu.memory_space<vmem>>) dst(%dma_wait3A_440 : memref<32x1024xf32, #tpu.memory_space<hbm>>)
    %add3A_441 = arith.constant 480 : i32
    %add3A_442 = arith.addi %mul3A_32, %add3A_441 : i32
    %dma_wait3A_443 = arith.constant 0 : i32
    %dma_wait3A_444 = tpu.memref_slice %arg4[%select_n3A, %add3A_442, %dma_wait3A_443] : memref<4x4096x1024xf32, #tpu.memory_space<hbm>> -> memref<1x32x1024xf32, #tpu.memory_space<hbm>>
    %dma_wait3A_445 = tpu.memref_squeeze %dma_wait3A_444 : memref<1x32x1024xf32, #tpu.memory_space<hbm>> -> memref<32x1024xf32, #tpu.memory_space<hbm>>
    %dma_wait3A_446 = arith.constant 0 : i32
    %dma_wait3A_447 = tpu.memref_slice %arg4[%select_n3A, %add3A_442, %dma_wait3A_446] : memref<4x4096x1024xf32, #tpu.memory_space<hbm>> -> memref<1x32x1024xf32, #tpu.memory_space<hbm>>
    %dma_wait3A_448 = tpu.memref_squeeze %dma_wait3A_447 : memref<1x32x1024xf32, #tpu.memory_space<hbm>> -> memref<32x1024xf32, #tpu.memory_space<hbm>>
    tpu.wait_dma2 semaphore(%arg12 : memref<!tpu.dma_semaphore, #tpu.memory_space<semaphore_mem>>) src(%arg6 : memref<32x1024xf32, #tpu.memory_space<vmem>>) dst(%dma_wait3A_448 : memref<32x1024xf32, #tpu.memory_space<hbm>>)
    return
  }
}

</mosaic_0001>

<sc_bundles>
// kernel: kernel.3.cloned.1.call-start
scs
__scs_entry_jumppad:
0x0: {  	(pc) =	sbr.rel $0x88, $3  }
0x1: {  	(tag) =	ssettag $0x0;
	lr =	simm.s32 $0x1  }
0x2: {  	[smem:$0x3F9F] =	sst lr;
	_ =	strace $0xD0000000  }
0x3: {  	_ = 	snop  }
0x4: {  	_ = 	snop  }
0x5: {  	_ = 	snop  }
0x6: {  	_ = 	snop  }
0x7: {  	_ = 	snop  }
__scs_overlays_trampoline_lowered:
0x8: {  	[smem:$0x3FAE] =	sst s0  }
0x9: {  	[smem:$0x3FAF] =	sst s1  }
0xa: {  	[smem:$0x3FB0] =	sst s2  }
0xb: {  	[smem:$0x3FB1] =	sst s3  }
0xc: {  	[smem:$0x3FB2] =	sst s4  }
0xd: {  	[smem:$0x3FB3] =	sst s5  }
0xe: {  	[smem:$0x3FB4] =	sst s6  }
0xf: {  	[smem:$0x3FB5] =	sst s7  }
0x10: {  	[smem:$0x3FB6] =	sst s8  }
0x11: {  	[smem:$0x3FB7] =	sst s9;
	s0 =	simm.s32 @!p0 $0x0  }
0x12: {  	s1 =	sld [smem:$0x3F9D];
	s0 =	simm.s32 @p0 $0x1  }
0x13: {  	[smem:$0x3FB8] =	sst s0;
	s0 =	simm.s32 @!p1 $0x0  }
0x14: {  	s2 =	sld [smem:$0x3F9C];
	s0 =	simm.s32 @p1 $0x1  }
0x15: {  	[smem:$0x3FB9] =	sst s0;
	s0 =	simm.s32 @!p2 $0x0  }
0x16: {  	s3 =	sld [smem:$0x3FDB];
	s0 =	simm.s32 @p2 $0x1  }
0x17: {  	s4 =	simm.s32 $0x1BF5;
	[smem:$0x3FBB] =	sst s0  }
0x18: {  	s0 =	sld [smem:$0x3F9E];
	_ =	swait.ge [sflag:s4], $0x0  }
0x19: {  	s7 =	sld [smem:$0x3F9F]  }
0x1a: {  	s8 =	sadd.s32 $0xFFFFE003, lr  }
0x1b: {  	s9 =	sadd.s32 $0xFFFFFEF7, lr;
	s5 =	simm.s32 $0xFFFFFFFF;
	p2 =	slt.u32 s8, $0xFFFFF086  }
0x1c: {  	p1 =	slt.u32 s9, $0xF7A;
	s5 =	simm.s32 @!p2 $0x0  }
0x1d: {  	s5 =	simm.s32 @p1 $0x1;
	p0 =	seq.s32 s7, s2  }
0x1e: {  	s7 =	smul.u32 @!p0 $0xF7A, s2;
	p2 =	seq.s32 @!p0 s5, $0x0  }
0x1f: {  	s9 =	smul.u32 $0xF7A, s1;
	s8 =	simm.s32 @!p0 $0x1BF5;
	p2 =	por !p2, p0  }
0x20: {  	[sflag:s8] =	ssyncset.s32 @!p0 $0xFFFFF086;
	s6 =	sadd.s32 @!p0 s3, s7;
	s7 =	simm.s32 @!p0 $0x108  }
0x21: {  	s3 =	sadd.s32 s3, s9;
	s6 =	sadd.s32 @!p0 $0x88, s6;
	s7 =	simm.s32 @p2 $0x1082  }
0x22: {  	[simem:s7], [sflag:s8] =	dma.local @!p0 [hbm:s6], $0xF7A  }
0x23: {  	s9 =	sor.u32 $0xD0000000, s2;
	s6 =	simm.s32 $0x108;
	_ =	swait.ge @!p0 [sflag:s8], $0x0  }
0x24: {  	s3 =	sadd.s32 $0x88, s3;
	s6 =	simm.s32 @!p1 $0x1082;
	[sflag:s4] =	ssyncset.s32 $0xFFFFF086  }
0x25: {  	[simem:s6], [sflag:s4] =	dma.local [hbm:s3], $0xF7A  }
0x26: {  	[smem:$0x3F9F] =	sst s1;
	(tag) =	ssettag s2;
	_ =	strace s9  }
0x27: {  	s1 =	sld [smem:$0x3FAF]  }
0x28: {  	s2 =	sld [smem:$0x3FB0]  }
0x29: {  	s4 =	sld [smem:$0x3FB2]  }
0x2a: {  	p0 =	seq.s32 s5, $0x0;
	s5 =	sld [smem:$0x3FB3]  }
0x2b: {  	s6 =	sld [smem:$0x3FB4]  }
0x2c: {  	s7 =	sld [smem:$0x3FB5]  }
0x2d: {  	s3 =	simm.s32 $0x108;
	s8 =	sld [smem:$0x3FB6]  }
0x2e: {  	s3 =	simm.s32 @!p0 $0x1082;
	s9 =	sld [smem:$0x3FB7]  }
0x2f: {  	lr =	sadd.s32 s0, s3;
	s0 =	sld [smem:$0x3FAE]  }
0x30: {  	s3 =	sld [smem:$0x3FB1]  }
0x31: {  	[smem:$0x3FBA] =	sst s10  }
0x32: {  	s10 =	sld [smem:$0x3FB8];
	_ =	sdelay $0x3  }
0x33: {  	p0 =	seq.s32 s10, $0x1;
	s10 =	sld [smem:$0x3FBA];
	_ =	sdelay $0x3  }
0x34: {  	[smem:$0x3FBA] =	sst s10  }
0x35: {  	s10 =	sld [smem:$0x3FB9];
	_ =	sdelay $0x3  }
0x36: {  	p1 =	seq.s32 s10, $0x1;
	s10 =	sld [smem:$0x3FBA];
	_ =	sdelay $0x3  }
0x37: {  	[smem:$0x3FBA] =	sst s10  }
0x38: {  	s10 =	sld [smem:$0x3FBB]  }
0x39: {  	_ = 	snop;
	(pc) =	sbr.ind lr, $3  }
0x3a: {  	_ = 	snop  }
0x3b: {  	_ = 	snop  }
0x3c: {  	p2 =	seq.s32 s10, $0x1;
	s10 =	sld [smem:$0x3FBA]  }
0x3d: {  	_ =	shalt  }
0x3e: {  	_ =	shalt  }
0x3f: {  	_ =	shalt  }
0x40: {  	_ =	shalt  }
0x41: {  	_ =	shalt  }
0x42: {  	_ =	shalt  }
0x43: {  	_ =	shalt  }
0x44: {  	_ =	shalt  }
0x45: {  	_ =	shalt  }
0x46: {  	_ =	shalt  }
0x47: {  	_ =	shalt  }
0x48: {  	_ =	shalt  }
0x49: {  	_ =	shalt  }
0x4a: {  	_ =	shalt  }
0x4b: {  	_ =	shalt  }
0x4c: {  	_ =	shalt  }
0x4d: {  	_ =	shalt  }
0x4e: {  	_ =	shalt  }
0x4f: {  	_ =	shalt  }
0x50: {  	_ =	shalt  }
0x51: {  	_ =	shalt  }
0x52: {  	_ =	shalt  }
0x53: {  	_ =	shalt  }
0x54: {  	_ =	shalt  }
0x55: {  	_ =	shalt  }
0x56: {  	_ =	shalt  }
0x57: {  	_ =	shalt  }
0x58: {  	_ =	shalt  }
0x59: {  	_ =	shalt  }
0x5a: {  	_ =	shalt  }
0x5b: {  	_ =	shalt  }
0x5c: {  	_ =	shalt  }
0x5d: {  	_ =	shalt  }
0x5e: {  	_ =	shalt  }
0x5f: {  	_ =	shalt  }
0x60: {  	_ =	shalt  }
0x61: {  	_ =	shalt  }
0x62: {  	_ =	shalt  }
0x63: {  	_ =	shalt  }
0x64: {  	_ =	shalt  }
0x65: {  	_ =	shalt  }
0x66: {  	_ =	shalt  }
0x67: {  	_ =	shalt  }
0x68: {  	_ =	shalt  }
0x69: {  	_ =	shalt  }
0x6a: {  	_ =	shalt  }
0x6b: {  	_ =	shalt  }
0x6c: {  	_ =	shalt  }
0x6d: {  	_ =	shalt  }
0x6e: {  	_ =	shalt  }
0x6f: {  	_ =	shalt  }
0x70: {  	_ =	shalt  }
0x71: {  	_ =	shalt  }
0x72: {  	_ =	shalt  }
0x73: {  	_ =	shalt  }
0x74: {  	_ =	shalt  }
0x75: {  	_ =	shalt  }
0x76: {  	_ =	shalt  }
0x77: {  	_ =	shalt  }
0x78: {  	_ =	shalt  }
0x79: {  	_ =	shalt  }
0x7a: {  	_ =	shalt  }
0x7b: {  	_ =	shalt  }
0x7c: {  	_ =	shalt  }
0x7d: {  	_ =	shalt  }
0x7e: {  	_ =	shalt  }
0x7f: {  	_ =	shalt  }
0x80: {  	_ =	shalt  }
0x81: {  	_ =	shalt  }
0x82: {  	_ =	shalt  }
0x83: {  	_ =	shalt  }
0x84: {  	_ =	shalt  }
0x85: {  	_ =	shalt  }
0x86: {  	_ =	shalt  }
0x87: {  	_ =	shalt  }
.Lfunc_end0:
.L_simem_size_0:
called_computation_lowered:
.L_overlay_start_0:
0x88: {  	s2 =	sld [smem:$0x3FD9]  }
0x89: {  	s3 =	sld [smem:$0x3FFE];
	_ =	sdelay $0x1  }
0x8a: {  	s1 =	srdreg.scid  }
0x8b: {  	s0 =	sand.u32 $0x1, s1  }
0x8c: {  	s18 =	sshll.u32 s0, $0xA;
	s2 =	sadd.s32 s3, s2  }
0x8d: {  	s2 =	sadd.s32 s2, s18  }
0x8e: {  	[smem:$0x3FC6] =	sst s2  }
0x8f: {  	_ = 	snop  }
0x90: {  	s2 =	sld [smem:$0x3FC9]  }
0x91: {  	s19 =	sld [smem:$0x3FC8]  }
0x92: {  	s4 =	sld [smem:$0x3FD0];
	(tm) =	ssettm $0x1  }
0x93: {  	s5 =	sld [smem:$0x3FFB];
	_ =	sdelay $0x3  }
0x94: {  	_ =	strace s5  }
0x95: {  	s5 =	sld [smem:$0x3FFC];
	_ =	sdelay $0x3  }
0x96: {  	_ =	strace s5  }
0x97: {  	s5 =	sld [smem:$0x3FFD];
	_ =	sdelay $0x3  }
0x98: {  	_ =	strace s5  }
0x99: {  	_ =	strace $0x8FFFFFFF  }
0x9a: {  	s20 =	sld [smem:$0x3FDB];
	_ =	sdelay $0x1  }
0x9b: {  	s6 =	simm.s32 $_scs_section_size  }
0x9c: {  	s7 =	simm.s32 $_size__tile_overlayer_lowered;
	s8 =	simm.s32 $_tile_overlayer_lowered  }
0x9d: {  	s23 =	simm.s32 $0x1BFF;
	s22 =	sshll.u32 s8, $0x1;
	s5 =	sadd.s32 s6, s20  }
0x9e: {  	s9 =	simm.s32 $0x0;
	s21 =	sshll.u32 s7, $0x1;
	s7 =	sadd.s32 s22, s5  }
0x9f: {  	[timem:s9], [sflag:s23] =	dma.local [hbm:s7], s21  }
0xa0: {  	_ =	swait.ge [sflag:s23], s21  }
0xa1: {  	s6 =	ssub.s32 $0x0, s21;
	[sflag:s23] =	ssyncset.done $0x0  }
0xa2: {  	[sflag:s23] =	ssyncadd.s32 s6;
	_ =	sdelay $0x1  }
0xa3: {  	s24 =	simm.s32 $0x1B8B  }
0xa4: {  	_ =	swait.ge [sflag:s24], $0x1  }
0xa5: {  	[sflag:s24] =	ssyncset.done $0x0  }
0xa6: {  	s25 =	simm.s32 $0x1B8E;
	[sflag:s24] =	ssyncadd.s32 $0xFFFFFFFF  }
0xa7: {  	s26 =	simm.s32 $execute0_lowered;
	[smem:$0x3FD2] =	sst s25  }
0xa8: {  	s6 =	sshll.u32 s26, $0x1;
	_ =	strace $0x80000046;
	[dreg:$0x1] =	wrdreg $0xFFFFFFFF  }
0xa9: {  	s28 =	simm.s32 $_size_execute0_lowered;
	s5 =	sadd.s32 s5, s6;
	[dreg:$0x0] =	wrdreg $0x0  }
0xaa: {  	s6 =	sshll.u32 s28, $0x1;
	[dreg:$0x2] =	wrdreg s5  }
0xab: {  	[dreg:$0x3] =	wrdreg s6  }
0xac: {  	[dreg:$0x4] =	wrdreg $0xC0  }
0xad: {  	_ =	task [dreg:s9], $0x5FFFF  }
0xae: {  	[dreg:$0x1] =	wrdreg $0xFFFFFFFF  }
0xaf: {  	[dreg:$0x0] =	wrdreg $0x60  }
0xb0: {  	[dreg:$0x2] =	wrdreg s19  }
0xb1: {  	[dreg:$0x3] =	wrdreg s2  }
0xb2: {  	[dreg:$0x4] =	wrdreg s4  }
0xb3: {  	[dreg:$0x5] =	wrdreg $0x9  }
0xb4: {  	_ =	task.clear_ibuf [dreg:s9], $0x6FFFF;
	_ =	strace $0x90000046  }
0xb5: {  	s29 =	simm.s32 $0x9;
	_ =	strace $0x80000048  }
0xb6: {  	_ =	swait.ge [sflag:s29], $0x1  }
0xb7: {  	[sflag:s29] =	ssyncadd.s32 $0xFFFFFFFF  }
0xb8: {  	_ =	strace $0x90000048  }
0xb9: {  	_ =	sfence  }
0xba: {  	s30 =	sld [smem:$0x0];
	_ =	sdelay $0x2  }
0xbb: {  	s31 =	sshll.u32 s1, $0xD;
	s1 =	sshrl.u32 s1, $0x2  }
0xbc: {  	s3 =	sand.u32 $0x4000, s31;
	s1 =	sadd.s32 s1, s30  }
0xbd: {  	s0 =	sor.u32 s3, s0;
	s1 =	sshll.u32 s1, $0x11  }
0xbe: {  	s0 =	sor.u32 s1, s0  }
0xbf: {  	s0 =	sadd.s32 $0x8F2B, s0  }
0xc0: {  	[sflag:s0] =	ssyncadd.remote.s32 $0x1  }
0xc1: {  	_ =	sfence.sel $0xFFFF  }
0xc2: {  	[dreg:$0x0] =	wrdreg $0xFFFFFFFF;
	(pc) =	sbr.abs _section_cstart, $3  }
0xc3: {  	[dreg:$0x1] =	wrdreg $0xFFFFFFFF  }
0xc4: {  	_ =	task.clear_ibuf [dreg:s9], $0x2FFFF;
	_ =	strace $0x9FFFFFFF  }
0xc5: {  	(tm) =	ssettm $0x7FFFFFFF  }
tec
execute0_lowered:
.L_overlay_start_1:
0x0: {  	(tag) =	ssettag $0x1  }
0x1: {  	s2 =	rddreg [dreg:$0x0]  }
0x2: {  	s0 =	rddreg [dreg:$0x1]  }
0x3: {  	s1 =	rddreg [dreg:$0x2];
	s6 =	stileid.u32  }
0x4: {  	s4 =	srdreg.scid;
	s3 =	simm.s32 $0x0;
	s5 =	sshll.u32 s6, $0x1  }
0x5: {  	s4 =	sand.u32 $0x1, s4;
	s6 =	sshrl.u32 s6, $0x2;
	s5 =	sand.u32 $0x6, s5  }
0x6: {  	[smem:$0x7FF] =	sst s3;
	s9 =	sshll.u32 s6, $0x7;
	s5 =	sor.u32 s4, s5  }
0x7: {  	_ =	strace $0x80000047;
	s6 =	sshll.u32 s6, $0x16;
	s8 =	sshll.u32 s5, $0xB  }
0x8: {  	s7 =	sshll.u32 s5, $0x9;
	s5 =	sshll.u32 s5, $0x13;
	s8 =	sor.u32 s9, s8  }
0x9: {  	s7 =	sor.u32 $0x80, s7;
	s5 =	sor.u32 s6, s5;
	s8 =	sshrl.u32 s8, $0x3  }
0xa: {  	s10 =	sshll.u32 s7, $0x2;
	s5 =	sshrl.u32 s5, $0x3;
	s8 =	sadd.s32 s0, s8  }
0xb: {  	s9 =	sor.u32 s9, s10;
	s10 =	sadd.s32 s1, s5;
	[dreg:$0x4] =	wrdreg s8  }
0xc: {  	s11 =	sadd.s32 $0x1000, s10;
	[dreg:$0x15] =	wrdreg s10  }
0xd: {  	s13 =	sadd.s32 $0x2000, s10;
	[dreg:$0x6] =	wrdreg s11  }
0xe: {  	s14 =	sadd.s32 $0x3000, s10;
	[dreg:$0x7] =	wrdreg s13  }
0xf: {  	s16 =	sadd.s32 $0x5000, s10;
	[dreg:$0x8] =	wrdreg s14  }
0x10: {  	s28 =	simm.s32 $0x2;
	s17 =	sadd.s32 $0x6000, s10;
	[dreg:$0xa] =	wrdreg s16  }
0x11: {  	s30 =	simm.s32 $0x5;
	s18 =	sadd.s32 $0x7000, s10;
	[dreg:$0xb] =	wrdreg s17  }
0x12: {  	s31 =	simm.s32 $0x3;
	s19 =	sadd.s32 $0x8000, s10;
	[dreg:$0xc] =	wrdreg s18  }
0x13: {  	s23 =	ssub.s32 $0x2, s4;
	s20 =	sadd.s32 $0x9000, s10;
	[dreg:$0xd] =	wrdreg s19  }
0x14: {  	s4 =	sshrl.u32 s23, $0x1;
	s21 =	sadd.s32 $0xA000, s10;
	[dreg:$0xe] =	wrdreg s20  }
0x15: {  	s12 =	sshll.u32 s7, $0xA;
	s22 =	sadd.s32 $0xB000, s10;
	[dreg:$0xf] =	wrdreg s21  }
0x16: {  	s7 =	sadd.s32 $0x300, s2;
	s24 =	sadd.s32 $0xC000, s10;
	[dreg:$0x10] =	wrdreg s22  }
0x17: {  	s5 =	sor.u32 s6, s12;
	s25 =	sadd.s32 $0xD000, s10;
	[dreg:$0x11] =	wrdreg s24  }
0x18: {  	s6 =	sadd.s32 $0x200, s2;
	s26 =	sadd.s32 $0xE000, s10;
	[dreg:$0x12] =	wrdreg s25  }
0x19: {  	s9 =	sshrl.u32 s9, $0x3;
	s29 =	sadd.s32 $0xF000, s10;
	[dreg:$0x13] =	wrdreg s26  }
0x1a: {  	s5 =	sshrl.u32 s5, $0x3;
	s0 =	sadd.s32 s0, s9;
	[dreg:$0x14] =	wrdreg s29  }
0x1b: {  	v2 =	vlaneseq.u32;
	s15 =	sadd.s32 s1, s5;
	s1 =	ssub.s32 s23, s4;
	[dreg:$0x5] =	wrdreg s0  }
0x1c: {  	vm0 =	vmmov $0xffff;
	v1 =	vshrl.u32 v2, $0x3;
	s5 =	sadd.s32 $0x100, s2;
	s4 =	simm.s32 $0x4;
	[dreg:$0x9] =	wrdreg s15  }
0x1d: {  	v0 =	vand.u32 $0x7, v2;
	v2 =	vor.u32 $0x8, v2;
	v1 =	vmul.u32 $0x8, v1;
	s8 =	smax.u32 s1, $0x1;
	s1 =	simm.s32 $0x1;
	s0 =	simm.s32 $0x6  }
.LBB2_1:
0x1e: {  	[dreg:$0x16] =	wrdreg s8  }
0x1f: {  	s9 =	rddreg [dreg:$0x4];
	s11 =	simm.s32 $0x7  }
0x20: {  	[tilespmem:s3], [sflag:$0x7] =	stream.linear.gather [hbm4b:s9+s3], $0x80, $0x38;
	[tilespmem:$0x18200] =	vst v63  }
0x21: {  	_ =	swait.ge [sflag:s11], $0x80  }
0x22: {  	[sflag:s11] =	ssyncset.done $0x0  }
0x23: {  	[sflag:s11] =	ssyncadd.s32 $0xFFFFFF80  }
0x24: {  	v3 =	vld [tilespmem:$0x0];
	_ =	sdelay $0x4  }
0x25: {  	v4 =	vshll.u32 v3, $0x3  }
0x26: {  	v3 =	vand.u32 $0x7, v3;
	v4 =	vand.u32 $0xFFFFFFC0, v4  }
0x27: {  	v3 =	vor.u32 v3, v4  }
0x28: {  	v4 =	vperm.xlane v3, v0;
	_ =	sdelay $0x1  }
0x29: {  	v4 =	vadd.s32 v1, v4;
	_ =	sdelay $0x3  }
0x2a: {  	s8 =	simm.s32 $0x200  }
0x2b: {  	[tilespmem:s8], [sflag:$0x1] =	stream.indirect_vreg.gather [hbm4b:s2+s3], $0x80, v4, vm0, $0xb8;
	[tilespmem:$0x18200] =	vst v63  }
0x2c: {  	s19 =	simm.s32 $0xA00;
	v3 =	vperm.xlane v3, v2  }
0x2d: {  	[tilespmem:s19], [sflag:$0x1] =	stream.indirect_vreg.gather [hbm4b:s5+s3], $0x80, v4, vm0, $0xb8;
	[tilespmem:$0x18200] =	vst v63  }
0x2e: {  	s20 =	simm.s32 $0x1200;
	v3 =	vadd.s32 v1, v3  }
0x2f: {  	[tilespmem:s20], [sflag:$0x1] =	stream.indirect_vreg.gather [hbm4b:s6+s3], $0x80, v4, vm0, $0xb8;
	[tilespmem:$0x18200] =	vst v63  }
0x30: {  	s21 =	simm.s32 $0x1A00  }
0x31: {  	[tilespmem:s21], [sflag:$0x1] =	stream.indirect_vreg.gather [hbm4b:s7+s3], $0x80, v4, vm0, $0xb8;
	[tilespmem:$0x18200] =	vst v63  }
0x32: {  	s22 =	simm.s32 $0x2200  }
0x33: {  	[tilespmem:s22], [sflag:$0x1] =	stream.indirect_vreg.gather [hbm4b:s2+s3], $0x80, v3, vm0, $0xb8;
	[tilespmem:$0x18200] =	vst v63  }
0x34: {  	s23 =	simm.s32 $0x2A00  }
0x35: {  	[tilespmem:s23], [sflag:$0x1] =	stream.indirect_vreg.gather [hbm4b:s5+s3], $0x80, v3, vm0, $0xb8;
	[tilespmem:$0x18200] =	vst v63  }
0x36: {  	s24 =	simm.s32 $0x3200  }
0x37: {  	[tilespmem:s24], [sflag:$0x1] =	stream.indirect_vreg.gather [hbm4b:s6+s3], $0x80, v3, vm0, $0xb8;
	[tilespmem:$0x18200] =	vst v63  }
0x38: {  	s25 =	simm.s32 $0x3A00  }
0x39: {  	[tilespmem:s25], [sflag:$0x1] =	stream.indirect_vreg.gather [hbm4b:s7+s3], $0x80, v3, vm0, $0xb8;
	[tilespmem:$0x18200] =	vst v63  }
0x3a: {  	v3 =	vld [tilespmem:$0x10];
	_ =	sdelay $0x4  }
0x3b: {  	v33 =	vshll.u32 v3, $0x3  }
0x3c: {  	v3 =	vand.u32 $0x7, v3;
	v4 =	vand.u32 $0xFFFFFFC0, v33  }
0x3d: {  	v3 =	vor.u32 v3, v4  }
0x3e: {  	v4 =	vperm.xlane v3, v0;
	_ =	sdelay $0x1  }
0x3f: {  	v4 =	vadd.s32 v1, v4;
	_ =	sdelay $0x3  }
0x40: {  	s26 =	simm.s32 $0x4200  }
0x41: {  	[tilespmem:s26], [sflag:$0x1] =	stream.indirect_vreg.gather [hbm4b:s2+s3], $0x80, v4, vm0, $0xb8;
	[tilespmem:$0x18200] =	vst v63  }
0x42: {  	s29 =	simm.s32 $0x4A00;
	v3 =	vperm.xlane v3, v2  }
0x43: {  	[tilespmem:s29], [sflag:$0x1] =	stream.indirect_vreg.gather [hbm4b:s5+s3], $0x80, v4, vm0, $0xb8;
	[tilespmem:$0x18200] =	vst v63  }
0x44: {  	s10 =	simm.s32 $0x5200;
	v3 =	vadd.s32 v1, v3  }
0x45: {  	[tilespmem:s10], [sflag:$0x1] =	stream.indirect_vreg.gather [hbm4b:s6+s3], $0x80, v4, vm0, $0xb8;
	[tilespmem:$0x18200] =	vst v63  }
0x46: {  	s12 =	simm.s32 $0x5A00  }
0x47: {  	[tilespmem:s12], [sflag:$0x1] =	stream.indirect_vreg.gather [hbm4b:s7+s3], $0x80, v4, vm0, $0xb8;
	[tilespmem:$0x18200] =	vst v63  }
0x48: {  	s14 =	simm.s32 $0x6200  }
0x49: {  	[tilespmem:s14], [sflag:$0x1] =	stream.indirect_vreg.gather [hbm4b:s2+s3], $0x80, v3, vm0, $0xb8;
	[tilespmem:$0x18200] =	vst v63  }
0x4a: {  	s18 =	simm.s32 $0x6A00  }
0x4b: {  	[tilespmem:s18], [sflag:$0x1] =	stream.indirect_vreg.gather [hbm4b:s5+s3], $0x80, v3, vm0, $0xb8;
	[tilespmem:$0x18200] =	vst v63  }
0x4c: {  	s19 =	simm.s32 $0x7200  }
0x4d: {  	[tilespmem:s19], [sflag:$0x1] =	stream.indirect_vreg.gather [hbm4b:s6+s3], $0x80, v3, vm0, $0xb8;
	[tilespmem:$0x18200] =	vst v63  }
0x4e: {  	s20 =	simm.s32 $0x7A00  }
0x4f: {  	[tilespmem:s20], [sflag:$0x1] =	stream.indirect_vreg.gather [hbm4b:s7+s3], $0x80, v3, vm0, $0xb8;
	[tilespmem:$0x18200] =	vst v63  }
0x50: {  	v3 =	vld [tilespmem:$0x20];
	_ =	sdelay $0x4  }
0x51: {  	v34 =	vshll.u32 v3, $0x3  }
0x52: {  	v3 =	vand.u32 $0x7, v3;
	v4 =	vand.u32 $0xFFFFFFC0, v34  }
0x53: {  	v3 =	vor.u32 v3, v4  }
0x54: {  	v4 =	vperm.xlane v3, v0;
	_ =	sdelay $0x1  }
0x55: {  	v4 =	vadd.s32 v1, v4;
	_ =	sdelay $0x3  }
0x56: {  	s21 =	simm.s32 $0x8200  }
0x57: {  	[tilespmem:s21], [sflag:$0x2] =	stream.indirect_vreg.gather [hbm4b:s2+s3], $0x80, v4, vm0, $0xb8;
	[tilespmem:$0x18200] =	vst v63  }
0x58: {  	s22 =	simm.s32 $0x8A00;
	v3 =	vperm.xlane v3, v2  }
0x59: {  	[tilespmem:s22], [sflag:$0x2] =	stream.indirect_vreg.gather [hbm4b:s5+s3], $0x80, v4, vm0, $0xb8;
	[tilespmem:$0x18200] =	vst v63  }
0x5a: {  	s23 =	simm.s32 $0x9200;
	v3 =	vadd.s32 v1, v3  }
0x5b: {  	[tilespmem:s23], [sflag:$0x2] =	stream.indirect_vreg.gather [hbm4b:s6+s3], $0x80, v4, vm0, $0xb8;
	[tilespmem:$0x18200] =	vst v63  }
0x5c: {  	s24 =	simm.s32 $0x9A00  }
0x5d: {  	[tilespmem:s24], [sflag:$0x2] =	stream.indirect_vreg.gather [hbm4b:s7+s3], $0x80, v4, vm0, $0xb8;
	[tilespmem:$0x18200] =	vst v63  }
0x5e: {  	s25 =	simm.s32 $0xA200  }
0x5f: {  	[tilespmem:s25], [sflag:$0x2] =	stream.indirect_vreg.gather [hbm4b:s2+s3], $0x80, v3, vm0, $0xb8;
	[tilespmem:$0x18200] =	vst v63  }
0x60: {  	s26 =	simm.s32 $0xAA00  }
0x61: {  	[tilespmem:s26], [sflag:$0x2] =	stream.indirect_vreg.gather [hbm4b:s5+s3], $0x80, v3, vm0, $0xb8;
	[tilespmem:$0x18200] =	vst v63  }
0x62: {  	s29 =	simm.s32 $0xB200  }
0x63: {  	[tilespmem:s29], [sflag:$0x2] =	stream.indirect_vreg.gather [hbm4b:s6+s3], $0x80, v3, vm0, $0xb8;
	[tilespmem:$0x18200] =	vst v63  }
0x64: {  	s10 =	simm.s32 $0xBA00  }
0x65: {  	[tilespmem:s10], [sflag:$0x2] =	stream.indirect_vreg.gather [hbm4b:s7+s3], $0x80, v3, vm0, $0xb8;
	[tilespmem:$0x18200] =	vst v63  }
0x66: {  	v3 =	vld [tilespmem:$0x30];
	_ =	sdelay $0x4  }
0x67: {  	v35 =	vshll.u32 v3, $0x3  }
0x68: {  	v3 =	vand.u32 $0x7, v3;
	v4 =	vand.u32 $0xFFFFFFC0, v35  }
0x69: {  	v3 =	vor.u32 v3, v4  }
0x6a: {  	v4 =	vperm.xlane v3, v0;
	_ =	sdelay $0x1  }
0x6b: {  	v4 =	vadd.s32 v1, v4;
	_ =	sdelay $0x3  }
0x6c: {  	s12 =	simm.s32 $0xC200  }
0x6d: {  	[tilespmem:s12], [sflag:$0x2] =	stream.indirect_vreg.gather [hbm4b:s2+s3], $0x80, v4, vm0, $0xb8;
	[tilespmem:$0x18200] =	vst v63  }
0x6e: {  	s14 =	simm.s32 $0xCA00;
	v3 =	vperm.xlane v3, v2  }
0x6f: {  	[tilespmem:s14], [sflag:$0x2] =	stream.indirect_vreg.gather [hbm4b:s5+s3], $0x80, v4, vm0, $0xb8;
	[tilespmem:$0x18200] =	vst v63  }
0x70: {  	s18 =	simm.s32 $0xD200;
	v3 =	vadd.s32 v1, v3  }
0x71: {  	[tilespmem:s18], [sflag:$0x2] =	stream.indirect_vreg.gather [hbm4b:s6+s3], $0x80, v4, vm0, $0xb8;
	[tilespmem:$0x18200] =	vst v63  }
0x72: {  	s19 =	simm.s32 $0xDA00  }
0x73: {  	[tilespmem:s19], [sflag:$0x2] =	stream.indirect_vreg.gather [hbm4b:s7+s3], $0x80, v4, vm0, $0xb8;
	[tilespmem:$0x18200] =	vst v63  }
0x74: {  	s20 =	simm.s32 $0xE200  }
0x75: {  	[tilespmem:s20], [sflag:$0x2] =	stream.indirect_vreg.gather [hbm4b:s2+s3], $0x80, v3, vm0, $0xb8;
	[tilespmem:$0x18200] =	vst v63  }
0x76: {  	s21 =	simm.s32 $0xEA00  }
0x77: {  	[tilespmem:s21], [sflag:$0x2] =	stream.indirect_vreg.gather [hbm4b:s5+s3], $0x80, v3, vm0, $0xb8;
	[tilespmem:$0x18200] =	vst v63  }
0x78: {  	s22 =	simm.s32 $0xF200  }
0x79: {  	[tilespmem:s22], [sflag:$0x2] =	stream.indirect_vreg.gather [hbm4b:s6+s3], $0x80, v3, vm0, $0xb8;
	[tilespmem:$0x18200] =	vst v63  }
0x7a: {  	s26 =	simm.s32 $0xFA00  }
0x7b: {  	[tilespmem:s26], [sflag:$0x2] =	stream.indirect_vreg.gather [hbm4b:s7+s3], $0x80, v3, vm0, $0xb8;
	[tilespmem:$0x18200] =	vst v63  }
0x7c: {  	v3 =	vld [tilespmem:$0x40];
	_ =	sdelay $0x4  }
0x7d: {  	v36 =	vshll.u32 v3, $0x3  }
0x7e: {  	v3 =	vand.u32 $0x7, v3;
	v4 =	vand.u32 $0xFFFFFFC0, v36  }
0x7f: {  	v3 =	vor.u32 v3, v4  }
0x80: {  	v4 =	vperm.xlane v3, v0;
	_ =	sdelay $0x1  }
0x81: {  	v4 =	vadd.s32 v1, v4;
	_ =	sdelay $0x3  }
0x82: {  	s29 =	simm.s32 $0x10200  }
0x83: {  	[tilespmem:s29], [sflag:$0x3] =	stream.indirect_vreg.gather [hbm4b:s2+s3], $0x80, v4, vm0, $0xb8;
	[tilespmem:$0x18200] =	vst v63  }
0x84: {  	s10 =	simm.s32 $0x10A00;
	v3 =	vperm.xlane v3, v2  }
0x85: {  	[tilespmem:s10], [sflag:$0x3] =	stream.indirect_vreg.gather [hbm4b:s5+s3], $0x80, v4, vm0, $0xb8;
	[tilespmem:$0x18200] =	vst v63  }
0x86: {  	s12 =	simm.s32 $0x11200;
	v3 =	vadd.s32 v1, v3  }
0x87: {  	[tilespmem:s12], [sflag:$0x3] =	stream.indirect_vreg.gather [hbm4b:s6+s3], $0x80, v4, vm0, $0xb8;
	[tilespmem:$0x18200] =	vst v63  }
0x88: {  	s14 =	simm.s32 $0x11A00  }
0x89: {  	[tilespmem:s14], [sflag:$0x3] =	stream.indirect_vreg.gather [hbm4b:s7+s3], $0x80, v4, vm0, $0xb8;
	[tilespmem:$0x18200] =	vst v63  }
0x8a: {  	s18 =	simm.s32 $0x12200  }
0x8b: {  	[tilespmem:s18], [sflag:$0x3] =	stream.indirect_vreg.gather [hbm4b:s2+s3], $0x80, v3, vm0, $0xb8;
	[tilespmem:$0x18200] =	vst v63  }
0x8c: {  	s19 =	simm.s32 $0x12A00  }
0x8d: {  	[tilespmem:s19], [sflag:$0x3] =	stream.indirect_vreg.gather [hbm4b:s5+s3], $0x80, v3, vm0, $0xb8;
	[tilespmem:$0x18200] =	vst v63  }
0x8e: {  	s20 =	simm.s32 $0x13200  }
0x8f: {  	[tilespmem:s20], [sflag:$0x3] =	stream.indirect_vreg.gather [hbm4b:s6+s3], $0x80, v3, vm0, $0xb8;
	[tilespmem:$0x18200] =	vst v63  }
0x90: {  	s21 =	simm.s32 $0x13A00  }
0x91: {  	[tilespmem:s21], [sflag:$0x3] =	stream.indirect_vreg.gather [hbm4b:s7+s3], $0x80, v3, vm0, $0xb8;
	[tilespmem:$0x18200] =	vst v63  }
0x92: {  	v3 =	vld [tilespmem:$0x50];
	_ =	sdelay $0x4  }
0x93: {  	v37 =	vshll.u32 v3, $0x3  }
0x94: {  	v3 =	vand.u32 $0x7, v3;
	v4 =	vand.u32 $0xFFFFFFC0, v37  }
0x95: {  	v3 =	vor.u32 v3, v4  }
0x96: {  	v4 =	vperm.xlane v3, v0;
	_ =	sdelay $0x1  }
0x97: {  	v4 =	vadd.s32 v1, v4;
	_ =	sdelay $0x3  }
0x98: {  	s26 =	simm.s32 $0x14200  }
0x99: {  	[tilespmem:s26], [sflag:$0x3] =	stream.indirect_vreg.gather [hbm4b:s2+s3], $0x80, v4, vm0, $0xb8;
	[tilespmem:$0x18200] =	vst v63  }
0x9a: {  	s10 =	simm.s32 $0x14A00;
	v3 =	vperm.xlane v3, v2  }
0x9b: {  	[tilespmem:s10], [sflag:$0x3] =	stream.indirect_vreg.gather [hbm4b:s5+s3], $0x80, v4, vm0, $0xb8;
	[tilespmem:$0x18200] =	vst v63  }
0x9c: {  	s12 =	simm.s32 $0x15200;
	v3 =	vadd.s32 v1, v3  }
0x9d: {  	[tilespmem:s12], [sflag:$0x3] =	stream.indirect_vreg.gather [hbm4b:s6+s3], $0x80, v4, vm0, $0xb8;
	[tilespmem:$0x18200] =	vst v63  }
0x9e: {  	s14 =	simm.s32 $0x15A00  }
0x9f: {  	[tilespmem:s14], [sflag:$0x3] =	stream.indirect_vreg.gather [hbm4b:s7+s3], $0x80, v4, vm0, $0xb8;
	[tilespmem:$0x18200] =	vst v63  }
0xa0: {  	s18 =	simm.s32 $0x16200  }
0xa1: {  	[tilespmem:s18], [sflag:$0x3] =	stream.indirect_vreg.gather [hbm4b:s2+s3], $0x80, v3, vm0, $0xb8;
	[tilespmem:$0x18200] =	vst v63  }
0xa2: {  	s19 =	simm.s32 $0x16A00  }
0xa3: {  	[tilespmem:s19], [sflag:$0x3] =	stream.indirect_vreg.gather [hbm4b:s5+s3], $0x80, v3, vm0, $0xb8;
	[tilespmem:$0x18200] =	vst v63  }
0xa4: {  	s20 =	simm.s32 $0x17200  }
0xa5: {  	[tilespmem:s20], [sflag:$0x3] =	stream.indirect_vreg.gather [hbm4b:s6+s3], $0x80, v3, vm0, $0xb8;
	[tilespmem:$0x18200] =	vst v63  }
0xa6: {  	s10 =	simm.s32 $0x17A00  }
0xa7: {  	[tilespmem:s10], [sflag:$0x3] =	stream.indirect_vreg.gather [hbm4b:s7+s3], $0x80, v3, vm0, $0xb8;
	[tilespmem:$0x18200] =	vst v63  }
0xa8: {  	s21 =	rddreg [dreg:$0x5];
	s12 =	simm.s32 $0x80  }
0xa9: {  	[tilespmem:s12], [sflag:$0x7] =	stream.strided.gather [hbm4b:s21+s12], $0x180, s8, s12, $0x38;
	[tilespmem:$0x18200] =	vst v63  }
0xaa: {  	_ =	swait.ge [sflag:s11], $0x180  }
0xab: {  	[sflag:s11] =	ssyncset.done $0x0  }
0xac: {  	[sflag:s11] =	ssyncadd.s32 $0xFFFFFE80  }
0xad: {  	_ =	swait.ge [sflag:s1], $0x8000  }
0xae: {  	[sflag:s1] =	ssyncset.done $0x0  }
0xaf: {  	s26 =	rddreg [dreg:$0x15];
	[sflag:s1] =	ssyncadd.s32 $0xFFFF8000  }
0xb0: {  	[hbm4b:s26+s3] =	stream.linear.scatter [tilespmem:s8], [sflag:$0x4], $0x8000, $0x38;
	[tilespmem:$0x18200] =	vst v63  }
0xb1: {  	_ =	swait.ge [sflag:s4], $0x8000  }
0xb2: {  	[sflag:s4] =	ssyncset.done $0x0  }
0xb3: {  	[sflag:s4] =	ssyncadd.s32 $0xFFFF8000  }
0xb4: {  	v3 =	vld [tilespmem:$0x60];
	_ =	sdelay $0x4  }
0xb5: {  	v38 =	vshll.u32 v3, $0x3  }
0xb6: {  	v3 =	vand.u32 $0x7, v3;
	v4 =	vand.u32 $0xFFFFFFC0, v38  }
0xb7: {  	v3 =	vor.u32 v3, v4  }
0xb8: {  	v4 =	vperm.xlane v3, v0;
	_ =	sdelay $0x1  }
0xb9: {  	v4 =	vadd.s32 v1, v4;
	_ =	sdelay $0x4  }
0xba: {  	[tilespmem:s8], [sflag:$0x1] =	stream.indirect_vreg.gather [hbm4b:s2+s3], $0x80, v4, vm0, $0xb8;
	[tilespmem:$0x18200] =	vst v63  }
0xbb: {  	s13 =	simm.s32 $0xA00;
	v3 =	vperm.xlane v3, v2  }
0xbc: {  	[tilespmem:s13], [sflag:$0x1] =	stream.indirect_vreg.gather [hbm4b:s5+s3], $0x80, v4, vm0, $0xb8;
	[tilespmem:$0x18200] =	vst v63  }
0xbd: {  	s10 =	simm.s32 $0x1200;
	v3 =	vadd.s32 v1, v3  }
0xbe: {  	[tilespmem:s10], [sflag:$0x1] =	stream.indirect_vreg.gather [hbm4b:s6+s3], $0x80, v4, vm0, $0xb8;
	[tilespmem:$0x18200] =	vst v63  }
0xbf: {  	s12 =	simm.s32 $0x1A00  }
0xc0: {  	[tilespmem:s12], [sflag:$0x1] =	stream.indirect_vreg.gather [hbm4b:s7+s3], $0x80, v4, vm0, $0xb8;
	[tilespmem:$0x18200] =	vst v63  }
0xc1: {  	s26 =	simm.s32 $0x2200  }
0xc2: {  	[tilespmem:s26], [sflag:$0x1] =	stream.indirect_vreg.gather [hbm4b:s2+s3], $0x80, v3, vm0, $0xb8;
	[tilespmem:$0x18200] =	vst v63  }
0xc3: {  	s13 =	simm.s32 $0x2A00  }
0xc4: {  	[tilespmem:s13], [sflag:$0x1] =	stream.indirect_vreg.gather [hbm4b:s5+s3], $0x80, v3, vm0, $0xb8;
	[tilespmem:$0x18200] =	vst v63  }
0xc5: {  	s14 =	simm.s32 $0x3200  }
0xc6: {  	[tilespmem:s14], [sflag:$0x1] =	stream.indirect_vreg.gather [hbm4b:s6+s3], $0x80, v3, vm0, $0xb8;
	[tilespmem:$0x18200] =	vst v63  }
0xc7: {  	s15 =	simm.s32 $0x3A00  }
0xc8: {  	[tilespmem:s15], [sflag:$0x1] =	stream.indirect_vreg.gather [hbm4b:s7+s3], $0x80, v3, vm0, $0xb8;
	[tilespmem:$0x18200] =	vst v63  }
0xc9: {  	v3 =	vld [tilespmem:$0x70];
	_ =	sdelay $0x4  }
0xca: {  	v39 =	vshll.u32 v3, $0x3  }
0xcb: {  	v3 =	vand.u32 $0x7, v3;
	v4 =	vand.u32 $0xFFFFFFC0, v39  }
0xcc: {  	v3 =	vor.u32 v3, v4  }
0xcd: {  	v4 =	vperm.xlane v3, v0;
	_ =	sdelay $0x1  }
0xce: {  	v4 =	vadd.s32 v1, v4;
	_ =	sdelay $0x3  }
0xcf: {  	s16 =	simm.s32 $0x4200  }
0xd0: {  	[tilespmem:s16], [sflag:$0x1] =	stream.indirect_vreg.gather [hbm4b:s2+s3], $0x80, v4, vm0, $0xb8;
	[tilespmem:$0x18200] =	vst v63  }
0xd1: {  	s17 =	simm.s32 $0x4A00;
	v3 =	vperm.xlane v3, v2  }
0xd2: {  	[tilespmem:s17], [sflag:$0x1] =	stream.indirect_vreg.gather [hbm4b:s5+s3], $0x80, v4, vm0, $0xb8;
	[tilespmem:$0x18200] =	vst v63  }
0xd3: {  	s15 =	simm.s32 $0x5200;
	v3 =	vadd.s32 v1, v3  }
0xd4: {  	[tilespmem:s15], [sflag:$0x1] =	stream.indirect_vreg.gather [hbm4b:s6+s3], $0x80, v4, vm0, $0xb8;
	[tilespmem:$0x18200] =	vst v63  }
0xd5: {  	s16 =	simm.s32 $0x5A00  }
0xd6: {  	[tilespmem:s16], [sflag:$0x1] =	stream.indirect_vreg.gather [hbm4b:s7+s3], $0x80, v4, vm0, $0xb8;
	[tilespmem:$0x18200] =	vst v63  }
0xd7: {  	s17 =	simm.s32 $0x6200  }
0xd8: {  	[tilespmem:s17], [sflag:$0x1] =	stream.indirect_vreg.gather [hbm4b:s2+s3], $0x80, v3, vm0, $0xb8;
	[tilespmem:$0x18200] =	vst v63  }
0xd9: {  	s18 =	simm.s32 $0x6A00  }
0xda: {  	[tilespmem:s18], [sflag:$0x1] =	stream.indirect_vreg.gather [hbm4b:s5+s3], $0x80, v3, vm0, $0xb8;
	[tilespmem:$0x18200] =	vst v63  }
0xdb: {  	s19 =	simm.s32 $0x7200  }
0xdc: {  	[tilespmem:s19], [sflag:$0x1] =	stream.indirect_vreg.gather [hbm4b:s6+s3], $0x80, v3, vm0, $0xb8;
	[tilespmem:$0x18200] =	vst v63  }
0xdd: {  	s20 =	simm.s32 $0x7A00  }
0xde: {  	[tilespmem:s20], [sflag:$0x1] =	stream.indirect_vreg.gather [hbm4b:s7+s3], $0x80, v3, vm0, $0xb8;
	[tilespmem:$0x18200] =	vst v63  }
0xdf: {  	_ =	swait.ge [sflag:s28], $0x8000  }
0xe0: {  	[sflag:s28] =	ssyncset.done $0x0  }
0xe1: {  	s21 =	simm.s32 $0x8200;
	s11 =	rddreg [dreg:$0x6];
	[sflag:s28] =	ssyncadd.s32 $0xFFFF8000  }
0xe2: {  	[hbm4b:s11+s3] =	stream.linear.scatter [tilespmem:s21], [sflag:$0x5], $0x8000, $0x38;
	[tilespmem:$0x18200] =	vst v63  }
0xe3: {  	_ =	swait.ge [sflag:s30], $0x8000  }
0xe4: {  	[sflag:s30] =	ssyncset.done $0x0  }
0xe5: {  	[sflag:s30] =	ssyncadd.s32 $0xFFFF8000  }
0xe6: {  	v3 =	vld [tilespmem:$0x80];
	_ =	sdelay $0x4  }
0xe7: {  	v40 =	vshll.u32 v3, $0x3  }
0xe8: {  	v3 =	vand.u32 $0x7, v3;
	v4 =	vand.u32 $0xFFFFFFC0, v40  }
0xe9: {  	v3 =	vor.u32 v3, v4  }
0xea: {  	v4 =	vperm.xlane v3, v0;
	_ =	sdelay $0x1  }
0xeb: {  	v4 =	vadd.s32 v1, v4;
	_ =	sdelay $0x4  }
0xec: {  	[tilespmem:s21], [sflag:$0x2] =	stream.indirect_vreg.gather [hbm4b:s2+s3], $0x80, v4, vm0, $0xb8;
	[tilespmem:$0x18200] =	vst v63  }
0xed: {  	v3 =	vperm.xlane v3, v2;
	s21 =	simm.s32 $0x8A00  }
0xee: {  	[tilespmem:s21], [sflag:$0x2] =	stream.indirect_vreg.gather [hbm4b:s5+s3], $0x80, v4, vm0, $0xb8;
	[tilespmem:$0x18200] =	vst v63  }
0xef: {  	s23 =	simm.s32 $0x9200;
	v3 =	vadd.s32 v1, v3  }
0xf0: {  	[tilespmem:s23], [sflag:$0x2] =	stream.indirect_vreg.gather [hbm4b:s6+s3], $0x80, v4, vm0, $0xb8;
	[tilespmem:$0x18200] =	vst v63  }
0xf1: {  	s24 =	simm.s32 $0x9A00  }
0xf2: {  	[tilespmem:s24], [sflag:$0x2] =	stream.indirect_vreg.gather [hbm4b:s7+s3], $0x80, v4, vm0, $0xb8;
	[tilespmem:$0x18200] =	vst v63  }
0xf3: {  	s25 =	simm.s32 $0xA200  }
0xf4: {  	[tilespmem:s25], [sflag:$0x2] =	stream.indirect_vreg.gather [hbm4b:s2+s3], $0x80, v3, vm0, $0xb8;
	[tilespmem:$0x18200] =	vst v63  }
0xf5: {  	s11 =	simm.s32 $0xAA00  }
0xf6: {  	[tilespmem:s11], [sflag:$0x2] =	stream.indirect_vreg.gather [hbm4b:s5+s3], $0x80, v3, vm0, $0xb8;
	[tilespmem:$0x18200] =	vst v63  }
0xf7: {  	s24 =	simm.s32 $0xB200  }
0xf8: {  	[tilespmem:s24], [sflag:$0x2] =	stream.indirect_vreg.gather [hbm4b:s6+s3], $0x80, v3, vm0, $0xb8;
	[tilespmem:$0x18200] =	vst v63  }
0xf9: {  	s25 =	simm.s32 $0xBA00  }
0xfa: {  	[tilespmem:s25], [sflag:$0x2] =	stream.indirect_vreg.gather [hbm4b:s7+s3], $0x80, v3, vm0, $0xb8;
	[tilespmem:$0x18200] =	vst v63  }
0xfb: {  	v3 =	vld [tilespmem:$0x90];
	_ =	sdelay $0x4  }
0xfc: {  	v41 =	vshll.u32 v3, $0x3  }
0xfd: {  	v3 =	vand.u32 $0x7, v3;
	v4 =	vand.u32 $0xFFFFFFC0, v41  }
0xfe: {  	v3 =	vor.u32 v3, v4  }
0xff: {  	v4 =	vperm.xlane v3, v0;
	_ =	sdelay $0x1  }
0x100: {  	v4 =	vadd.s32 v1, v4;
	_ =	sdelay $0x3  }
0x101: {  	s10 =	simm.s32 $0xC200  }
0x102: {  	[tilespmem:s10], [sflag:$0x2] =	stream.indirect_vreg.gather [hbm4b:s2+s3], $0x80, v4, vm0, $0xb8;
	[tilespmem:$0x18200] =	vst v63  }
0x103: {  	s21 =	simm.s32 $0xCA00;
	v3 =	vperm.xlane v3, v2  }
0x104: {  	[tilespmem:s21], [sflag:$0x2] =	stream.indirect_vreg.gather [hbm4b:s5+s3], $0x80, v4, vm0, $0xb8;
	[tilespmem:$0x18200] =	vst v63  }
0x105: {  	s23 =	simm.s32 $0xD200;
	v3 =	vadd.s32 v1, v3  }
0x106: {  	[tilespmem:s23], [sflag:$0x2] =	stream.indirect_vreg.gather [hbm4b:s6+s3], $0x80, v4, vm0, $0xb8;
	[tilespmem:$0x18200] =	vst v63  }
0x107: {  	s24 =	simm.s32 $0xDA00  }
0x108: {  	[tilespmem:s24], [sflag:$0x2] =	stream.indirect_vreg.gather [hbm4b:s7+s3], $0x80, v4, vm0, $0xb8;
	[tilespmem:$0x18200] =	vst v63  }
0x109: {  	s25 =	simm.s32 $0xE200  }
0x10a: {  	[tilespmem:s25], [sflag:$0x2] =	stream.indirect_vreg.gather [hbm4b:s2+s3], $0x80, v3, vm0, $0xb8;
	[tilespmem:$0x18200] =	vst v63  }
0x10b: {  	s10 =	simm.s32 $0xEA00  }
0x10c: {  	[tilespmem:s10], [sflag:$0x2] =	stream.indirect_vreg.gather [hbm4b:s5+s3], $0x80, v3, vm0, $0xb8;
	[tilespmem:$0x18200] =	vst v63  }
0x10d: {  	s21 =	simm.s32 $0xF200  }
0x10e: {  	[tilespmem:s21], [sflag:$0x2] =	stream.indirect_vreg.gather [hbm4b:s6+s3], $0x80, v3, vm0, $0xb8;
	[tilespmem:$0x18200] =	vst v63  }
0x10f: {  	s23 =	simm.s32 $0xFA00  }
0x110: {  	[tilespmem:s23], [sflag:$0x2] =	stream.indirect_vreg.gather [hbm4b:s7+s3], $0x80, v3, vm0, $0xb8;
	[tilespmem:$0x18200] =	vst v63  }
0x111: {  	_ =	swait.ge [sflag:s31], $0x8000  }
0x112: {  	[sflag:s31] =	ssyncset.done $0x0  }
0x113: {  	s25 =	simm.s32 $0x10200;
	s24 =	rddreg [dreg:$0x7];
	[sflag:s31] =	ssyncadd.s32 $0xFFFF8000  }
0x114: {  	[hbm4b:s24+s3] =	stream.linear.scatter [tilespmem:s25], [sflag:$0x6], $0x8000, $0x38;
	[tilespmem:$0x18200] =	vst v63  }
0x115: {  	_ =	swait.ge [sflag:s0], $0x8000  }
0x116: {  	[sflag:s0] =	ssyncset.done $0x0  }
0x117: {  	[sflag:s0] =	ssyncadd.s32 $0xFFFF8000  }
0x118: {  	v3 =	vld [tilespmem:$0xA0];
	_ =	sdelay $0x4  }
0x119: {  	v42 =	vshll.u32 v3, $0x3  }
0x11a: {  	v3 =	vand.u32 $0x7, v3;
	v4 =	vand.u32 $0xFFFFFFC0, v42  }
0x11b: {  	v3 =	vor.u32 v3, v4  }
0x11c: {  	v4 =	vperm.xlane v3, v0;
	_ =	sdelay $0x1  }
0x11d: {  	v4 =	vadd.s32 v1, v4;
	_ =	sdelay $0x4  }
0x11e: {  	[tilespmem:s25], [sflag:$0x3] =	stream.indirect_vreg.gather [hbm4b:s2+s3], $0x80, v4, vm0, $0xb8;
	[tilespmem:$0x18200] =	vst v63  }
0x11f: {  	s22 =	simm.s32 $0x10A00;
	v3 =	vperm.xlane v3, v2  }
0x120: {  	[tilespmem:s22], [sflag:$0x3] =	stream.indirect_vreg.gather [hbm4b:s5+s3], $0x80, v4, vm0, $0xb8;
	[tilespmem:$0x18200] =	vst v63  }
0x121: {  	s21 =	simm.s32 $0x11200;
	v3 =	vadd.s32 v1, v3  }
0x122: {  	[tilespmem:s21], [sflag:$0x3] =	stream.indirect_vreg.gather [hbm4b:s6+s3], $0x80, v4, vm0, $0xb8;
	[tilespmem:$0x18200] =	vst v63  }
0x123: {  	s22 =	simm.s32 $0x11A00  }
0x124: {  	[tilespmem:s22], [sflag:$0x3] =	stream.indirect_vreg.gather [hbm4b:s7+s3], $0x80, v4, vm0, $0xb8;
	[tilespmem:$0x18200] =	vst v63  }
0x125: {  	s23 =	simm.s32 $0x12200  }
0x126: {  	[tilespmem:s23], [sflag:$0x3] =	stream.indirect_vreg.gather [hbm4b:s2+s3], $0x80, v3, vm0, $0xb8;
	[tilespmem:$0x18200] =	vst v63  }
0x127: {  	s24 =	simm.s32 $0x12A00  }
0x128: {  	[tilespmem:s24], [sflag:$0x3] =	stream.indirect_vreg.gather [hbm4b:s5+s3], $0x80, v3, vm0, $0xb8;
	[tilespmem:$0x18200] =	vst v63  }
0x129: {  	s25 =	simm.s32 $0x13200  }
0x12a: {  	[tilespmem:s25], [sflag:$0x3] =	stream.indirect_vreg.gather [hbm4b:s6+s3], $0x80, v3, vm0, $0xb8;
	[tilespmem:$0x18200] =	vst v63  }
0x12b: {  	s29 =	simm.s32 $0x13A00  }
0x12c: {  	[tilespmem:s29], [sflag:$0x3] =	stream.indirect_vreg.gather [hbm4b:s7+s3], $0x80, v3, vm0, $0xb8;
	[tilespmem:$0x18200] =	vst v63  }
0x12d: {  	v3 =	vld [tilespmem:$0xB0];
	_ =	sdelay $0x4  }
0x12e: {  	v43 =	vshll.u32 v3, $0x3  }
0x12f: {  	v3 =	vand.u32 $0x7, v3;
	v4 =	vand.u32 $0xFFFFFFC0, v43  }
0x130: {  	v3 =	vor.u32 v3, v4  }
0x131: {  	v4 =	vperm.xlane v3, v0;
	_ =	sdelay $0x1  }
0x132: {  	v4 =	vadd.s32 v1, v4;
	_ =	sdelay $0x3  }
0x133: {  	s29 =	simm.s32 $0x14200  }
0x134: {  	[tilespmem:s29], [sflag:$0x3] =	stream.indirect_vreg.gather [hbm4b:s2+s3], $0x80, v4, vm0, $0xb8;
	[tilespmem:$0x18200] =	vst v63  }
0x135: {  	s10 =	simm.s32 $0x14A00;
	v3 =	vperm.xlane v3, v2  }
0x136: {  	[tilespmem:s10], [sflag:$0x3] =	stream.indirect_vreg.gather [hbm4b:s5+s3], $0x80, v4, vm0, $0xb8;
	[tilespmem:$0x18200] =	vst v63  }
0x137: {  	v3 =	vadd.s32 v1, v3;
	s29 =	simm.s32 $0x15200  }
0x138: {  	[tilespmem:s29], [sflag:$0x3] =	stream.indirect_vreg.gather [hbm4b:s6+s3], $0x80, v4, vm0, $0xb8;
	[tilespmem:$0x18200] =	vst v63  }
0x139: {  	s29 =	simm.s32 $0x15A00  }
0x13a: {  	[tilespmem:s29], [sflag:$0x3] =	stream.indirect_vreg.gather [hbm4b:s7+s3], $0x80, v4, vm0, $0xb8;
	[tilespmem:$0x18200] =	vst v63  }
0x13b: {  	s10 =	simm.s32 $0x16200  }
0x13c: {  	[tilespmem:s10], [sflag:$0x3] =	stream.indirect_vreg.gather [hbm4b:s2+s3], $0x80, v3, vm0, $0xb8;
	[tilespmem:$0x18200] =	vst v63  }
0x13d: {  	s10 =	simm.s32 $0x16A00  }
0x13e: {  	[tilespmem:s10], [sflag:$0x3] =	stream.indirect_vreg.gather [hbm4b:s5+s3], $0x80, v3, vm0, $0xb8;
	[tilespmem:$0x18200] =	vst v63  }
0x13f: {  	s10 =	simm.s32 $0x17200  }
0x140: {  	[tilespmem:s10], [sflag:$0x3] =	stream.indirect_vreg.gather [hbm4b:s6+s3], $0x80, v3, vm0, $0xb8;
	[tilespmem:$0x18200] =	vst v63  }
0x141: {  	s10 =	simm.s32 $0x17A00  }
0x142: {  	[tilespmem:s10], [sflag:$0x3] =	stream.indirect_vreg.gather [hbm4b:s7+s3], $0x80, v3, vm0, $0xb8;
	[tilespmem:$0x18200] =	vst v63  }
0x143: {  	_ =	swait.ge [sflag:s1], $0x8000  }
0x144: {  	[sflag:s1] =	ssyncset.done $0x0  }
0x145: {  	s10 =	rddreg [dreg:$0x8];
	[sflag:s1] =	ssyncadd.s32 $0xFFFF8000  }
0x146: {  	[hbm4b:s10+s3] =	stream.linear.scatter [tilespmem:s8], [sflag:$0x4], $0x8000, $0x38;
	[tilespmem:$0x18200] =	vst v63  }
0x147: {  	_ =	swait.ge [sflag:s4], $0x8000  }
0x148: {  	[sflag:s4] =	ssyncset.done $0x0  }
0x149: {  	[sflag:s4] =	ssyncadd.s32 $0xFFFF8000  }
0x14a: {  	v3 =	vld [tilespmem:$0xC0];
	_ =	sdelay $0x4  }
0x14b: {  	v44 =	vshll.u32 v3, $0x3  }
0x14c: {  	v3 =	vand.u32 $0x7, v3;
	v4 =	vand.u32 $0xFFFFFFC0, v44  }
0x14d: {  	v3 =	vor.u32 v3, v4  }
0x14e: {  	v4 =	vperm.xlane v3, v0;
	_ =	sdelay $0x1  }
0x14f: {  	v4 =	vadd.s32 v1, v4;
	_ =	sdelay $0x4  }
0x150: {  	[tilespmem:s8], [sflag:$0x1] =	stream.indirect_vreg.gather [hbm4b:s2+s3], $0x80, v4, vm0, $0xb8;
	[tilespmem:$0x18200] =	vst v63  }
0x151: {  	s10 =	simm.s32 $0xA00;
	v3 =	vperm.xlane v3, v2  }
0x152: {  	[tilespmem:s10], [sflag:$0x1] =	stream.indirect_vreg.gather [hbm4b:s5+s3], $0x80, v4, vm0, $0xb8;
	[tilespmem:$0x18200] =	vst v63  }
0x153: {  	v3 =	vadd.s32 v1, v3;
	s10 =	simm.s32 $0x1200  }
0x154: {  	[tilespmem:s10], [sflag:$0x1] =	stream.indirect_vreg.gather [hbm4b:s6+s3], $0x80, v4, vm0, $0xb8;
	[tilespmem:$0x18200] =	vst v63  }
0x155: {  	_ = 	snop  }
0x156: {  	[tilespmem:s12], [sflag:$0x1] =	stream.indirect_vreg.gather [hbm4b:s7+s3], $0x80, v4, vm0, $0xb8;
	[tilespmem:$0x18200] =	vst v63  }
0x157: {  	_ = 	snop  }
0x158: {  	[tilespmem:s26], [sflag:$0x1] =	stream.indirect_vreg.gather [hbm4b:s2+s3], $0x80, v3, vm0, $0xb8;
	[tilespmem:$0x18200] =	vst v63  }
0x159: {  	_ = 	snop  }
0x15a: {  	[tilespmem:s13], [sflag:$0x1] =	stream.indirect_vreg.gather [hbm4b:s5+s3], $0x80, v3, vm0, $0xb8;
	[tilespmem:$0x18200] =	vst v63  }
0x15b: {  	_ = 	snop  }
0x15c: {  	[tilespmem:s14], [sflag:$0x1] =	stream.indirect_vreg.gather [hbm4b:s6+s3], $0x80, v3, vm0, $0xb8;
	[tilespmem:$0x18200] =	vst v63  }
0x15d: {  	s10 =	simm.s32 $0x3A00  }
0x15e: {  	[tilespmem:s10], [sflag:$0x1] =	stream.indirect_vreg.gather [hbm4b:s7+s3], $0x80, v3, vm0, $0xb8;
	[tilespmem:$0x18200] =	vst v63  }
0x15f: {  	v3 =	vld [tilespmem:$0xD0];
	_ =	sdelay $0x4  }
0x160: {  	v45 =	vshll.u32 v3, $0x3  }
0x161: {  	v3 =	vand.u32 $0x7, v3;
	v4 =	vand.u32 $0xFFFFFFC0, v45  }
0x162: {  	v3 =	vor.u32 v3, v4  }
0x163: {  	v4 =	vperm.xlane v3, v0;
	_ =	sdelay $0x1  }
0x164: {  	v4 =	vadd.s32 v1, v4;
	_ =	sdelay $0x3  }
0x165: {  	s13 =	simm.s32 $0x4200  }
0x166: {  	[tilespmem:s13], [sflag:$0x1] =	stream.indirect_vreg.gather [hbm4b:s2+s3], $0x80, v4, vm0, $0xb8;
	[tilespmem:$0x18200] =	vst v63  }
0x167: {  	s12 =	simm.s32 $0x4A00;
	v3 =	vperm.xlane v3, v2  }
0x168: {  	[tilespmem:s12], [sflag:$0x1] =	stream.indirect_vreg.gather [hbm4b:s5+s3], $0x80, v4, vm0, $0xb8;
	[tilespmem:$0x18200] =	vst v63  }
0x169: {  	v3 =	vadd.s32 v1, v3  }
0x16a: {  	[tilespmem:s15], [sflag:$0x1] =	stream.indirect_vreg.gather [hbm4b:s6+s3], $0x80, v4, vm0, $0xb8;
	[tilespmem:$0x18200] =	vst v63  }
0x16b: {  	_ = 	snop  }
0x16c: {  	[tilespmem:s16], [sflag:$0x1] =	stream.indirect_vreg.gather [hbm4b:s7+s3], $0x80, v4, vm0, $0xb8;
	[tilespmem:$0x18200] =	vst v63  }
0x16d: {  	_ = 	snop  }
0x16e: {  	[tilespmem:s17], [sflag:$0x1] =	stream.indirect_vreg.gather [hbm4b:s2+s3], $0x80, v3, vm0, $0xb8;
	[tilespmem:$0x18200] =	vst v63  }
0x16f: {  	_ = 	snop  }
0x170: {  	[tilespmem:s18], [sflag:$0x1] =	stream.indirect_vreg.gather [hbm4b:s5+s3], $0x80, v3, vm0, $0xb8;
	[tilespmem:$0x18200] =	vst v63  }
0x171: {  	_ = 	snop  }
0x172: {  	[tilespmem:s19], [sflag:$0x1] =	stream.indirect_vreg.gather [hbm4b:s6+s3], $0x80, v3, vm0, $0xb8;
	[tilespmem:$0x18200] =	vst v63  }
0x173: {  	_ = 	snop  }
0x174: {  	[tilespmem:s20], [sflag:$0x1] =	stream.indirect_vreg.gather [hbm4b:s7+s3], $0x80, v3, vm0, $0xb8;
	[tilespmem:$0x18200] =	vst v63  }
0x175: {  	_ =	swait.ge [sflag:s28], $0x8000  }
0x176: {  	[sflag:s28] =	ssyncset.done $0x0  }
0x177: {  	s16 =	simm.s32 $0x8200;
	s15 =	rddreg [dreg:$0x9];
	[sflag:s28] =	ssyncadd.s32 $0xFFFF8000  }
0x178: {  	[hbm4b:s15+s3] =	stream.linear.scatter [tilespmem:s16], [sflag:$0x5], $0x8000, $0x38;
	[tilespmem:$0x18200] =	vst v63  }
0x179: {  	_ =	swait.ge [sflag:s30], $0x8000  }
0x17a: {  	[sflag:s30] =	ssyncset.done $0x0  }
0x17b: {  	[sflag:s30] =	ssyncadd.s32 $0xFFFF8000  }
0x17c: {  	v3 =	vld [tilespmem:$0xE0];
	_ =	sdelay $0x4  }
0x17d: {  	v46 =	vshll.u32 v3, $0x3  }
0x17e: {  	v3 =	vand.u32 $0x7, v3;
	v4 =	vand.u32 $0xFFFFFFC0, v46  }
0x17f: {  	v3 =	vor.u32 v3, v4  }
0x180: {  	v4 =	vperm.xlane v3, v0;
	_ =	sdelay $0x1  }
0x181: {  	v4 =	vadd.s32 v1, v4;
	_ =	sdelay $0x4  }
0x182: {  	[tilespmem:s16], [sflag:$0x2] =	stream.indirect_vreg.gather [hbm4b:s2+s3], $0x80, v4, vm0, $0xb8;
	[tilespmem:$0x18200] =	vst v63  }
0x183: {  	s17 =	simm.s32 $0x8A00;
	v3 =	vperm.xlane v3, v2  }
0x184: {  	[tilespmem:s17], [sflag:$0x2] =	stream.indirect_vreg.gather [hbm4b:s5+s3], $0x80, v4, vm0, $0xb8;
	[tilespmem:$0x18200] =	vst v63  }
0x185: {  	s18 =	simm.s32 $0x9200;
	v3 =	vadd.s32 v1, v3  }
0x186: {  	[tilespmem:s18], [sflag:$0x2] =	stream.indirect_vreg.gather [hbm4b:s6+s3], $0x80, v4, vm0, $0xb8;
	[tilespmem:$0x18200] =	vst v63  }
0x187: {  	s19 =	simm.s32 $0x9A00  }
0x188: {  	[tilespmem:s19], [sflag:$0x2] =	stream.indirect_vreg.gather [hbm4b:s7+s3], $0x80, v4, vm0, $0xb8;
	[tilespmem:$0x18200] =	vst v63  }
0x189: {  	s20 =	simm.s32 $0xA200  }
0x18a: {  	[tilespmem:s20], [sflag:$0x2] =	stream.indirect_vreg.gather [hbm4b:s2+s3], $0x80, v3, vm0, $0xb8;
	[tilespmem:$0x18200] =	vst v63  }
0x18b: {  	_ = 	snop  }
0x18c: {  	[tilespmem:s11], [sflag:$0x2] =	stream.indirect_vreg.gather [hbm4b:s5+s3], $0x80, v3, vm0, $0xb8;
	[tilespmem:$0x18200] =	vst v63  }
0x18d: {  	s26 =	simm.s32 $0xB200  }
0x18e: {  	[tilespmem:s26], [sflag:$0x2] =	stream.indirect_vreg.gather [hbm4b:s6+s3], $0x80, v3, vm0, $0xb8;
	[tilespmem:$0x18200] =	vst v63  }
0x18f: {  	s11 =	simm.s32 $0xBA00  }
0x190: {  	[tilespmem:s11], [sflag:$0x2] =	stream.indirect_vreg.gather [hbm4b:s7+s3], $0x80, v3, vm0, $0xb8;
	[tilespmem:$0x18200] =	vst v63  }
0x191: {  	v3 =	vld [tilespmem:$0xF0];
	_ =	sdelay $0x4  }
0x192: {  	v47 =	vshll.u32 v3, $0x3  }
0x193: {  	v3 =	vand.u32 $0x7, v3;
	v4 =	vand.u32 $0xFFFFFFC0, v47  }
0x194: {  	v3 =	vor.u32 v3, v4  }
0x195: {  	v4 =	vperm.xlane v3, v0;
	_ =	sdelay $0x1  }
0x196: {  	v4 =	vadd.s32 v1, v4;
	_ =	sdelay $0x3  }
0x197: {  	s14 =	simm.s32 $0xC200  }
0x198: {  	[tilespmem:s14], [sflag:$0x2] =	stream.indirect_vreg.gather [hbm4b:s2+s3], $0x80, v4, vm0, $0xb8;
	[tilespmem:$0x18200] =	vst v63  }
0x199: {  	s15 =	simm.s32 $0xCA00;
	v3 =	vperm.xlane v3, v2  }
0x19a: {  	[tilespmem:s15], [sflag:$0x2] =	stream.indirect_vreg.gather [hbm4b:s5+s3], $0x80, v4, vm0, $0xb8;
	[tilespmem:$0x18200] =	vst v63  }
0x19b: {  	s16 =	simm.s32 $0xD200;
	v3 =	vadd.s32 v1, v3  }
0x19c: {  	[tilespmem:s16], [sflag:$0x2] =	stream.indirect_vreg.gather [hbm4b:s6+s3], $0x80, v4, vm0, $0xb8;
	[tilespmem:$0x18200] =	vst v63  }
0x19d: {  	s17 =	simm.s32 $0xDA00  }
0x19e: {  	[tilespmem:s17], [sflag:$0x2] =	stream.indirect_vreg.gather [hbm4b:s7+s3], $0x80, v4, vm0, $0xb8;
	[tilespmem:$0x18200] =	vst v63  }
0x19f: {  	s18 =	simm.s32 $0xE200  }
0x1a0: {  	[tilespmem:s18], [sflag:$0x2] =	stream.indirect_vreg.gather [hbm4b:s2+s3], $0x80, v3, vm0, $0xb8;
	[tilespmem:$0x18200] =	vst v63  }
0x1a1: {  	s19 =	simm.s32 $0xEA00  }
0x1a2: {  	[tilespmem:s19], [sflag:$0x2] =	stream.indirect_vreg.gather [hbm4b:s5+s3], $0x80, v3, vm0, $0xb8;
	[tilespmem:$0x18200] =	vst v63  }
0x1a3: {  	s20 =	simm.s32 $0xF200  }
0x1a4: {  	[tilespmem:s20], [sflag:$0x2] =	stream.indirect_vreg.gather [hbm4b:s6+s3], $0x80, v3, vm0, $0xb8;
	[tilespmem:$0x18200] =	vst v63  }
0x1a5: {  	s26 =	simm.s32 $0xFA00  }
0x1a6: {  	[tilespmem:s26], [sflag:$0x2] =	stream.indirect_vreg.gather [hbm4b:s7+s3], $0x80, v3, vm0, $0xb8;
	[tilespmem:$0x18200] =	vst v63  }
0x1a7: {  	_ =	swait.ge [sflag:s31], $0x8000  }
0x1a8: {  	[sflag:s31] =	ssyncset.done $0x0  }
0x1a9: {  	s14 =	simm.s32 $0x10200;
	s11 =	rddreg [dreg:$0xa];
	[sflag:s31] =	ssyncadd.s32 $0xFFFF8000  }
0x1aa: {  	[hbm4b:s11+s3] =	stream.linear.scatter [tilespmem:s14], [sflag:$0x6], $0x8000, $0x38;
	[tilespmem:$0x18200] =	vst v63  }
0x1ab: {  	_ =	swait.ge [sflag:s0], $0x8000  }
0x1ac: {  	[sflag:s0] =	ssyncset.done $0x0  }
0x1ad: {  	[sflag:s0] =	ssyncadd.s32 $0xFFFF8000  }
0x1ae: {  	v3 =	vld [tilespmem:$0x100];
	_ =	sdelay $0x4  }
0x1af: {  	v48 =	vshll.u32 v3, $0x3  }
0x1b0: {  	v3 =	vand.u32 $0x7, v3;
	v4 =	vand.u32 $0xFFFFFFC0, v48  }
0x1b1: {  	v3 =	vor.u32 v3, v4  }
0x1b2: {  	v4 =	vperm.xlane v3, v0;
	_ =	sdelay $0x1  }
0x1b3: {  	v4 =	vadd.s32 v1, v4;
	_ =	sdelay $0x4  }
0x1b4: {  	[tilespmem:s14], [sflag:$0x3] =	stream.indirect_vreg.gather [hbm4b:s2+s3], $0x80, v4, vm0, $0xb8;
	[tilespmem:$0x18200] =	vst v63  }
0x1b5: {  	s26 =	simm.s32 $0x10A00;
	v3 =	vperm.xlane v3, v2  }
0x1b6: {  	[tilespmem:s26], [sflag:$0x3] =	stream.indirect_vreg.gather [hbm4b:s5+s3], $0x80, v4, vm0, $0xb8;
	[tilespmem:$0x18200] =	vst v63  }
0x1b7: {  	v3 =	vadd.s32 v1, v3  }
0x1b8: {  	[tilespmem:s21], [sflag:$0x3] =	stream.indirect_vreg.gather [hbm4b:s6+s3], $0x80, v4, vm0, $0xb8;
	[tilespmem:$0x18200] =	vst v63  }
0x1b9: {  	_ = 	snop  }
0x1ba: {  	[tilespmem:s22], [sflag:$0x3] =	stream.indirect_vreg.gather [hbm4b:s7+s3], $0x80, v4, vm0, $0xb8;
	[tilespmem:$0x18200] =	vst v63  }
0x1bb: {  	_ = 	snop  }
0x1bc: {  	[tilespmem:s23], [sflag:$0x3] =	stream.indirect_vreg.gather [hbm4b:s2+s3], $0x80, v3, vm0, $0xb8;
	[tilespmem:$0x18200] =	vst v63  }
0x1bd: {  	_ = 	snop  }
0x1be: {  	[tilespmem:s24], [sflag:$0x3] =	stream.indirect_vreg.gather [hbm4b:s5+s3], $0x80, v3, vm0, $0xb8;
	[tilespmem:$0x18200] =	vst v63  }
0x1bf: {  	_ = 	snop  }
0x1c0: {  	[tilespmem:s25], [sflag:$0x3] =	stream.indirect_vreg.gather [hbm4b:s6+s3], $0x80, v3, vm0, $0xb8;
	[tilespmem:$0x18200] =	vst v63  }
0x1c1: {  	s21 =	simm.s32 $0x13A00  }
0x1c2: {  	[tilespmem:s21], [sflag:$0x3] =	stream.indirect_vreg.gather [hbm4b:s7+s3], $0x80, v3, vm0, $0xb8;
	[tilespmem:$0x18200] =	vst v63  }
0x1c3: {  	v3 =	vld [tilespmem:$0x110];
	_ =	sdelay $0x4  }
0x1c4: {  	v49 =	vshll.u32 v3, $0x3  }
0x1c5: {  	v3 =	vand.u32 $0x7, v3;
	v4 =	vand.u32 $0xFFFFFFC0, v49  }
0x1c6: {  	v3 =	vor.u32 v3, v4  }
0x1c7: {  	v4 =	vperm.xlane v3, v0;
	_ =	sdelay $0x1  }
0x1c8: {  	v4 =	vadd.s32 v1, v4;
	_ =	sdelay $0x3  }
0x1c9: {  	s15 =	simm.s32 $0x14200  }
0x1ca: {  	[tilespmem:s15], [sflag:$0x3] =	stream.indirect_vreg.gather [hbm4b:s2+s3], $0x80, v4, vm0, $0xb8;
	[tilespmem:$0x18200] =	vst v63  }
0x1cb: {  	s16 =	simm.s32 $0x14A00;
	v3 =	vperm.xlane v3, v2  }
0x1cc: {  	[tilespmem:s16], [sflag:$0x3] =	stream.indirect_vreg.gather [hbm4b:s5+s3], $0x80, v4, vm0, $0xb8;
	[tilespmem:$0x18200] =	vst v63  }
0x1cd: {  	s17 =	simm.s32 $0x15200;
	v3 =	vadd.s32 v1, v3  }
0x1ce: {  	[tilespmem:s17], [sflag:$0x3] =	stream.indirect_vreg.gather [hbm4b:s6+s3], $0x80, v4, vm0, $0xb8;
	[tilespmem:$0x18200] =	vst v63  }
0x1cf: {  	_ = 	snop  }
0x1d0: {  	[tilespmem:s29], [sflag:$0x3] =	stream.indirect_vreg.gather [hbm4b:s7+s3], $0x80, v4, vm0, $0xb8;
	[tilespmem:$0x18200] =	vst v63  }
0x1d1: {  	s18 =	simm.s32 $0x16200  }
0x1d2: {  	[tilespmem:s18], [sflag:$0x3] =	stream.indirect_vreg.gather [hbm4b:s2+s3], $0x80, v3, vm0, $0xb8;
	[tilespmem:$0x18200] =	vst v63  }
0x1d3: {  	s19 =	simm.s32 $0x16A00  }
0x1d4: {  	[tilespmem:s19], [sflag:$0x3] =	stream.indirect_vreg.gather [hbm4b:s5+s3], $0x80, v3, vm0, $0xb8;
	[tilespmem:$0x18200] =	vst v63  }
0x1d5: {  	s20 =	simm.s32 $0x17200  }
0x1d6: {  	[tilespmem:s20], [sflag:$0x3] =	stream.indirect_vreg.gather [hbm4b:s6+s3], $0x80, v3, vm0, $0xb8;
	[tilespmem:$0x18200] =	vst v63  }
0x1d7: {  	s22 =	simm.s32 $0x17A00  }
0x1d8: {  	[tilespmem:s22], [sflag:$0x3] =	stream.indirect_vreg.gather [hbm4b:s7+s3], $0x80, v3, vm0, $0xb8;
	[tilespmem:$0x18200] =	vst v63  }
0x1d9: {  	_ =	swait.ge [sflag:s1], $0x8000  }
0x1da: {  	[sflag:s1] =	ssyncset.done $0x0  }
0x1db: {  	s23 =	rddreg [dreg:$0xb];
	[sflag:s1] =	ssyncadd.s32 $0xFFFF8000  }
0x1dc: {  	[hbm4b:s23+s3] =	stream.linear.scatter [tilespmem:s8], [sflag:$0x4], $0x8000, $0x38;
	[tilespmem:$0x18200] =	vst v63  }
0x1dd: {  	_ =	swait.ge [sflag:s4], $0x8000  }
0x1de: {  	[sflag:s4] =	ssyncset.done $0x0  }
0x1df: {  	[sflag:s4] =	ssyncadd.s32 $0xFFFF8000  }
0x1e0: {  	v3 =	vld [tilespmem:$0x120];
	_ =	sdelay $0x4  }
0x1e1: {  	v50 =	vshll.u32 v3, $0x3  }
0x1e2: {  	v3 =	vand.u32 $0x7, v3;
	v4 =	vand.u32 $0xFFFFFFC0, v50  }
0x1e3: {  	v3 =	vor.u32 v3, v4  }
0x1e4: {  	v4 =	vperm.xlane v3, v0;
	_ =	sdelay $0x1  }
0x1e5: {  	v4 =	vadd.s32 v1, v4;
	_ =	sdelay $0x4  }
0x1e6: {  	[tilespmem:s8], [sflag:$0x1] =	stream.indirect_vreg.gather [hbm4b:s2+s3], $0x80, v4, vm0, $0xb8;
	[tilespmem:$0x18200] =	vst v63  }
0x1e7: {  	s24 =	simm.s32 $0xA00;
	v3 =	vperm.xlane v3, v2  }
0x1e8: {  	[tilespmem:s24], [sflag:$0x1] =	stream.indirect_vreg.gather [hbm4b:s5+s3], $0x80, v4, vm0, $0xb8;
	[tilespmem:$0x18200] =	vst v63  }
0x1e9: {  	s11 =	simm.s32 $0x1200;
	v3 =	vadd.s32 v1, v3  }
0x1ea: {  	[tilespmem:s11], [sflag:$0x1] =	stream.indirect_vreg.gather [hbm4b:s6+s3], $0x80, v4, vm0, $0xb8;
	[tilespmem:$0x18200] =	vst v63  }
0x1eb: {  	s14 =	simm.s32 $0x1A00  }
0x1ec: {  	[tilespmem:s14], [sflag:$0x1] =	stream.indirect_vreg.gather [hbm4b:s7+s3], $0x80, v4, vm0, $0xb8;
	[tilespmem:$0x18200] =	vst v63  }
0x1ed: {  	s15 =	simm.s32 $0x2200  }
0x1ee: {  	[tilespmem:s15], [sflag:$0x1] =	stream.indirect_vreg.gather [hbm4b:s2+s3], $0x80, v3, vm0, $0xb8;
	[tilespmem:$0x18200] =	vst v63  }
0x1ef: {  	s16 =	simm.s32 $0x2A00  }
0x1f0: {  	[tilespmem:s16], [sflag:$0x1] =	stream.indirect_vreg.gather [hbm4b:s5+s3], $0x80, v3, vm0, $0xb8;
	[tilespmem:$0x18200] =	vst v63  }
0x1f1: {  	s17 =	simm.s32 $0x3200  }
0x1f2: {  	[tilespmem:s17], [sflag:$0x1] =	stream.indirect_vreg.gather [hbm4b:s6+s3], $0x80, v3, vm0, $0xb8;
	[tilespmem:$0x18200] =	vst v63  }
0x1f3: {  	_ = 	snop  }
0x1f4: {  	[tilespmem:s10], [sflag:$0x1] =	stream.indirect_vreg.gather [hbm4b:s7+s3], $0x80, v3, vm0, $0xb8;
	[tilespmem:$0x18200] =	vst v63  }
0x1f5: {  	v3 =	vld [tilespmem:$0x130];
	_ =	sdelay $0x4  }
0x1f6: {  	v51 =	vshll.u32 v3, $0x3  }
0x1f7: {  	v3 =	vand.u32 $0x7, v3;
	v4 =	vand.u32 $0xFFFFFFC0, v51  }
0x1f8: {  	v3 =	vor.u32 v3, v4  }
0x1f9: {  	v4 =	vperm.xlane v3, v0;
	_ =	sdelay $0x1  }
0x1fa: {  	v4 =	vadd.s32 v1, v4;
	_ =	sdelay $0x4  }
0x1fb: {  	[tilespmem:s13], [sflag:$0x1] =	stream.indirect_vreg.gather [hbm4b:s2+s3], $0x80, v4, vm0, $0xb8;
	[tilespmem:$0x18200] =	vst v63  }
0x1fc: {  	v3 =	vperm.xlane v3, v2  }
0x1fd: {  	[tilespmem:s12], [sflag:$0x1] =	stream.indirect_vreg.gather [hbm4b:s5+s3], $0x80, v4, vm0, $0xb8;
	[tilespmem:$0x18200] =	vst v63  }
0x1fe: {  	s10 =	simm.s32 $0x5200;
	v3 =	vadd.s32 v1, v3  }
0x1ff: {  	[tilespmem:s10], [sflag:$0x1] =	stream.indirect_vreg.gather [hbm4b:s6+s3], $0x80, v4, vm0, $0xb8;
	[tilespmem:$0x18200] =	vst v63  }
0x200: {  	s12 =	simm.s32 $0x5A00  }
0x201: {  	[tilespmem:s12], [sflag:$0x1] =	stream.indirect_vreg.gather [hbm4b:s7+s3], $0x80, v4, vm0, $0xb8;
	[tilespmem:$0x18200] =	vst v63  }
0x202: {  	s13 =	simm.s32 $0x6200  }
0x203: {  	[tilespmem:s13], [sflag:$0x1] =	stream.indirect_vreg.gather [hbm4b:s2+s3], $0x80, v3, vm0, $0xb8;
	[tilespmem:$0x18200] =	vst v63  }
0x204: {  	s18 =	simm.s32 $0x6A00  }
0x205: {  	[tilespmem:s18], [sflag:$0x1] =	stream.indirect_vreg.gather [hbm4b:s5+s3], $0x80, v3, vm0, $0xb8;
	[tilespmem:$0x18200] =	vst v63  }
0x206: {  	s19 =	simm.s32 $0x7200  }
0x207: {  	[tilespmem:s19], [sflag:$0x1] =	stream.indirect_vreg.gather [hbm4b:s6+s3], $0x80, v3, vm0, $0xb8;
	[tilespmem:$0x18200] =	vst v63  }
0x208: {  	s20 =	simm.s32 $0x7A00  }
0x209: {  	[tilespmem:s20], [sflag:$0x1] =	stream.indirect_vreg.gather [hbm4b:s7+s3], $0x80, v3, vm0, $0xb8;
	[tilespmem:$0x18200] =	vst v63  }
0x20a: {  	_ =	swait.ge [sflag:s28], $0x8000  }
0x20b: {  	[sflag:s28] =	ssyncset.done $0x0  }
0x20c: {  	s29 =	simm.s32 $0x8200;
	s25 =	rddreg [dreg:$0xc];
	[sflag:s28] =	ssyncadd.s32 $0xFFFF8000  }
0x20d: {  	[hbm4b:s25+s3] =	stream.linear.scatter [tilespmem:s29], [sflag:$0x5], $0x8000, $0x38;
	[tilespmem:$0x18200] =	vst v63  }
0x20e: {  	_ =	swait.ge [sflag:s30], $0x8000  }
0x20f: {  	[sflag:s30] =	ssyncset.done $0x0  }
0x210: {  	[sflag:s30] =	ssyncadd.s32 $0xFFFF8000  }
0x211: {  	v3 =	vld [tilespmem:$0x140];
	_ =	sdelay $0x4  }
0x212: {  	v52 =	vshll.u32 v3, $0x3  }
0x213: {  	v3 =	vand.u32 $0x7, v3;
	v4 =	vand.u32 $0xFFFFFFC0, v52  }
0x214: {  	v3 =	vor.u32 v3, v4  }
0x215: {  	v4 =	vperm.xlane v3, v0;
	_ =	sdelay $0x1  }
0x216: {  	v4 =	vadd.s32 v1, v4;
	_ =	sdelay $0x4  }
0x217: {  	[tilespmem:s29], [sflag:$0x2] =	stream.indirect_vreg.gather [hbm4b:s2+s3], $0x80, v4, vm0, $0xb8;
	[tilespmem:$0x18200] =	vst v63  }
0x218: {  	s23 =	simm.s32 $0x8A00;
	v3 =	vperm.xlane v3, v2  }
0x219: {  	[tilespmem:s23], [sflag:$0x2] =	stream.indirect_vreg.gather [hbm4b:s5+s3], $0x80, v4, vm0, $0xb8;
	[tilespmem:$0x18200] =	vst v63  }
0x21a: {  	s25 =	simm.s32 $0x9200;
	v3 =	vadd.s32 v1, v3  }
0x21b: {  	[tilespmem:s25], [sflag:$0x2] =	stream.indirect_vreg.gather [hbm4b:s6+s3], $0x80, v4, vm0, $0xb8;
	[tilespmem:$0x18200] =	vst v63  }
0x21c: {  	s29 =	simm.s32 $0x9A00  }
0x21d: {  	[tilespmem:s29], [sflag:$0x2] =	stream.indirect_vreg.gather [hbm4b:s7+s3], $0x80, v4, vm0, $0xb8;
	[tilespmem:$0x18200] =	vst v63  }
0x21e: {  	s22 =	simm.s32 $0xA200  }
0x21f: {  	[tilespmem:s22], [sflag:$0x2] =	stream.indirect_vreg.gather [hbm4b:s2+s3], $0x80, v3, vm0, $0xb8;
	[tilespmem:$0x18200] =	vst v63  }
0x220: {  	s23 =	simm.s32 $0xAA00  }
0x221: {  	[tilespmem:s23], [sflag:$0x2] =	stream.indirect_vreg.gather [hbm4b:s5+s3], $0x80, v3, vm0, $0xb8;
	[tilespmem:$0x18200] =	vst v63  }
0x222: {  	s29 =	simm.s32 $0xB200  }
0x223: {  	[tilespmem:s29], [sflag:$0x2] =	stream.indirect_vreg.gather [hbm4b:s6+s3], $0x80, v3, vm0, $0xb8;
	[tilespmem:$0x18200] =	vst v63  }
0x224: {  	s22 =	simm.s32 $0xBA00  }
0x225: {  	[tilespmem:s22], [sflag:$0x2] =	stream.indirect_vreg.gather [hbm4b:s7+s3], $0x80, v3, vm0, $0xb8;
	[tilespmem:$0x18200] =	vst v63  }
0x226: {  	v3 =	vld [tilespmem:$0x150];
	_ =	sdelay $0x4  }
0x227: {  	v53 =	vshll.u32 v3, $0x3  }
0x228: {  	v3 =	vand.u32 $0x7, v3;
	v4 =	vand.u32 $0xFFFFFFC0, v53  }
0x229: {  	v3 =	vor.u32 v3, v4  }
0x22a: {  	v4 =	vperm.xlane v3, v0;
	_ =	sdelay $0x1  }
0x22b: {  	v4 =	vadd.s32 v1, v4;
	_ =	sdelay $0x3  }
0x22c: {  	s23 =	simm.s32 $0xC200  }
0x22d: {  	[tilespmem:s23], [sflag:$0x2] =	stream.indirect_vreg.gather [hbm4b:s2+s3], $0x80, v4, vm0, $0xb8;
	[tilespmem:$0x18200] =	vst v63  }
0x22e: {  	s29 =	simm.s32 $0xCA00;
	v3 =	vperm.xlane v3, v2  }
0x22f: {  	[tilespmem:s29], [sflag:$0x2] =	stream.indirect_vreg.gather [hbm4b:s5+s3], $0x80, v4, vm0, $0xb8;
	[tilespmem:$0x18200] =	vst v63  }
0x230: {  	s22 =	simm.s32 $0xD200;
	v3 =	vadd.s32 v1, v3  }
0x231: {  	[tilespmem:s22], [sflag:$0x2] =	stream.indirect_vreg.gather [hbm4b:s6+s3], $0x80, v4, vm0, $0xb8;
	[tilespmem:$0x18200] =	vst v63  }
0x232: {  	s23 =	simm.s32 $0xDA00  }
0x233: {  	[tilespmem:s23], [sflag:$0x2] =	stream.indirect_vreg.gather [hbm4b:s7+s3], $0x80, v4, vm0, $0xb8;
	[tilespmem:$0x18200] =	vst v63  }
0x234: {  	s29 =	simm.s32 $0xE200  }
0x235: {  	[tilespmem:s29], [sflag:$0x2] =	stream.indirect_vreg.gather [hbm4b:s2+s3], $0x80, v3, vm0, $0xb8;
	[tilespmem:$0x18200] =	vst v63  }
0x236: {  	s22 =	simm.s32 $0xEA00  }
0x237: {  	[tilespmem:s22], [sflag:$0x2] =	stream.indirect_vreg.gather [hbm4b:s5+s3], $0x80, v3, vm0, $0xb8;
	[tilespmem:$0x18200] =	vst v63  }
0x238: {  	s23 =	simm.s32 $0xF200  }
0x239: {  	[tilespmem:s23], [sflag:$0x2] =	stream.indirect_vreg.gather [hbm4b:s6+s3], $0x80, v3, vm0, $0xb8;
	[tilespmem:$0x18200] =	vst v63  }
0x23a: {  	s29 =	simm.s32 $0xFA00  }
0x23b: {  	[tilespmem:s29], [sflag:$0x2] =	stream.indirect_vreg.gather [hbm4b:s7+s3], $0x80, v3, vm0, $0xb8;
	[tilespmem:$0x18200] =	vst v63  }
0x23c: {  	_ =	swait.ge [sflag:s31], $0x8000  }
0x23d: {  	[sflag:s31] =	ssyncset.done $0x0  }
0x23e: {  	s23 =	simm.s32 $0x10200;
	s22 =	rddreg [dreg:$0xd];
	[sflag:s31] =	ssyncadd.s32 $0xFFFF8000  }
0x23f: {  	[hbm4b:s22+s3] =	stream.linear.scatter [tilespmem:s23], [sflag:$0x6], $0x8000, $0x38;
	[tilespmem:$0x18200] =	vst v63  }
0x240: {  	_ =	swait.ge [sflag:s0], $0x8000  }
0x241: {  	[sflag:s0] =	ssyncset.done $0x0  }
0x242: {  	[sflag:s0] =	ssyncadd.s32 $0xFFFF8000  }
0x243: {  	v3 =	vld [tilespmem:$0x160];
	_ =	sdelay $0x4  }
0x244: {  	v54 =	vshll.u32 v3, $0x3  }
0x245: {  	v3 =	vand.u32 $0x7, v3;
	v4 =	vand.u32 $0xFFFFFFC0, v54  }
0x246: {  	v3 =	vor.u32 v3, v4  }
0x247: {  	v4 =	vperm.xlane v3, v0;
	_ =	sdelay $0x1  }
0x248: {  	v4 =	vadd.s32 v1, v4;
	_ =	sdelay $0x4  }
0x249: {  	[tilespmem:s23], [sflag:$0x3] =	stream.indirect_vreg.gather [hbm4b:s2+s3], $0x80, v4, vm0, $0xb8;
	[tilespmem:$0x18200] =	vst v63  }
0x24a: {  	v3 =	vperm.xlane v3, v2  }
0x24b: {  	[tilespmem:s26], [sflag:$0x3] =	stream.indirect_vreg.gather [hbm4b:s5+s3], $0x80, v4, vm0, $0xb8;
	[tilespmem:$0x18200] =	vst v63  }
0x24c: {  	s22 =	simm.s32 $0x11200;
	v3 =	vadd.s32 v1, v3  }
0x24d: {  	[tilespmem:s22], [sflag:$0x3] =	stream.indirect_vreg.gather [hbm4b:s6+s3], $0x80, v4, vm0, $0xb8;
	[tilespmem:$0x18200] =	vst v63  }
0x24e: {  	s29 =	simm.s32 $0x11A00  }
0x24f: {  	[tilespmem:s29], [sflag:$0x3] =	stream.indirect_vreg.gather [hbm4b:s7+s3], $0x80, v4, vm0, $0xb8;
	[tilespmem:$0x18200] =	vst v63  }
0x250: {  	s29 =	simm.s32 $0x12200  }
0x251: {  	[tilespmem:s29], [sflag:$0x3] =	stream.indirect_vreg.gather [hbm4b:s2+s3], $0x80, v3, vm0, $0xb8;
	[tilespmem:$0x18200] =	vst v63  }
0x252: {  	s29 =	simm.s32 $0x12A00  }
0x253: {  	[tilespmem:s29], [sflag:$0x3] =	stream.indirect_vreg.gather [hbm4b:s5+s3], $0x80, v3, vm0, $0xb8;
	[tilespmem:$0x18200] =	vst v63  }
0x254: {  	s29 =	simm.s32 $0x13200  }
0x255: {  	[tilespmem:s29], [sflag:$0x3] =	stream.indirect_vreg.gather [hbm4b:s6+s3], $0x80, v3, vm0, $0xb8;
	[tilespmem:$0x18200] =	vst v63  }
0x256: {  	_ = 	snop  }
0x257: {  	[tilespmem:s21], [sflag:$0x3] =	stream.indirect_vreg.gather [hbm4b:s7+s3], $0x80, v3, vm0, $0xb8;
	[tilespmem:$0x18200] =	vst v63  }
0x258: {  	v3 =	vld [tilespmem:$0x170];
	_ =	sdelay $0x4  }
0x259: {  	v55 =	vshll.u32 v3, $0x3  }
0x25a: {  	v3 =	vand.u32 $0x7, v3;
	v4 =	vand.u32 $0xFFFFFFC0, v55  }
0x25b: {  	v3 =	vor.u32 v3, v4  }
0x25c: {  	v4 =	vperm.xlane v3, v0;
	_ =	sdelay $0x1  }
0x25d: {  	v4 =	vadd.s32 v1, v4;
	_ =	sdelay $0x3  }
0x25e: {  	s21 =	simm.s32 $0x14200  }
0x25f: {  	[tilespmem:s21], [sflag:$0x3] =	stream.indirect_vreg.gather [hbm4b:s2+s3], $0x80, v4, vm0, $0xb8;
	[tilespmem:$0x18200] =	vst v63  }
0x260: {  	v3 =	vperm.xlane v3, v2;
	s21 =	simm.s32 $0x14A00  }
0x261: {  	[tilespmem:s21], [sflag:$0x3] =	stream.indirect_vreg.gather [hbm4b:s5+s3], $0x80, v4, vm0, $0xb8;
	[tilespmem:$0x18200] =	vst v63  }
0x262: {  	v3 =	vadd.s32 v1, v3;
	s21 =	simm.s32 $0x15200  }
0x263: {  	[tilespmem:s21], [sflag:$0x3] =	stream.indirect_vreg.gather [hbm4b:s6+s3], $0x80, v4, vm0, $0xb8;
	[tilespmem:$0x18200] =	vst v63  }
0x264: {  	s21 =	simm.s32 $0x15A00  }
0x265: {  	[tilespmem:s21], [sflag:$0x3] =	stream.indirect_vreg.gather [hbm4b:s7+s3], $0x80, v4, vm0, $0xb8;
	[tilespmem:$0x18200] =	vst v63  }
0x266: {  	s21 =	simm.s32 $0x16200  }
0x267: {  	[tilespmem:s21], [sflag:$0x3] =	stream.indirect_vreg.gather [hbm4b:s2+s3], $0x80, v3, vm0, $0xb8;
	[tilespmem:$0x18200] =	vst v63  }
0x268: {  	s21 =	simm.s32 $0x16A00  }
0x269: {  	[tilespmem:s21], [sflag:$0x3] =	stream.indirect_vreg.gather [hbm4b:s5+s3], $0x80, v3, vm0, $0xb8;
	[tilespmem:$0x18200] =	vst v63  }
0x26a: {  	s21 =	simm.s32 $0x17200  }
0x26b: {  	[tilespmem:s21], [sflag:$0x3] =	stream.indirect_vreg.gather [hbm4b:s6+s3], $0x80, v3, vm0, $0xb8;
	[tilespmem:$0x18200] =	vst v63  }
0x26c: {  	s21 =	simm.s32 $0x17A00  }
0x26d: {  	[tilespmem:s21], [sflag:$0x3] =	stream.indirect_vreg.gather [hbm4b:s7+s3], $0x80, v3, vm0, $0xb8;
	[tilespmem:$0x18200] =	vst v63  }
0x26e: {  	_ =	swait.ge [sflag:s1], $0x8000  }
0x26f: {  	[sflag:s1] =	ssyncset.done $0x0  }
0x270: {  	s21 =	rddreg [dreg:$0xe];
	[sflag:s1] =	ssyncadd.s32 $0xFFFF8000  }
0x271: {  	[hbm4b:s21+s3] =	stream.linear.scatter [tilespmem:s8], [sflag:$0x4], $0x8000, $0x38;
	[tilespmem:$0x18200] =	vst v63  }
0x272: {  	_ =	swait.ge [sflag:s4], $0x8000  }
0x273: {  	[sflag:s4] =	ssyncset.done $0x0  }
0x274: {  	[sflag:s4] =	ssyncadd.s32 $0xFFFF8000  }
0x275: {  	v3 =	vld [tilespmem:$0x180];
	_ =	sdelay $0x4  }
0x276: {  	v56 =	vshll.u32 v3, $0x3  }
0x277: {  	v3 =	vand.u32 $0x7, v3;
	v4 =	vand.u32 $0xFFFFFFC0, v56  }
0x278: {  	v3 =	vor.u32 v3, v4  }
0x279: {  	v4 =	vperm.xlane v3, v0;
	_ =	sdelay $0x1  }
0x27a: {  	v4 =	vadd.s32 v1, v4;
	_ =	sdelay $0x4  }
0x27b: {  	[tilespmem:s8], [sflag:$0x1] =	stream.indirect_vreg.gather [hbm4b:s2+s3], $0x80, v4, vm0, $0xb8;
	[tilespmem:$0x18200] =	vst v63  }
0x27c: {  	s21 =	simm.s32 $0xA00;
	v3 =	vperm.xlane v3, v2  }
0x27d: {  	[tilespmem:s21], [sflag:$0x1] =	stream.indirect_vreg.gather [hbm4b:s5+s3], $0x80, v4, vm0, $0xb8;
	[tilespmem:$0x18200] =	vst v63  }
0x27e: {  	v3 =	vadd.s32 v1, v3  }
0x27f: {  	[tilespmem:s11], [sflag:$0x1] =	stream.indirect_vreg.gather [hbm4b:s6+s3], $0x80, v4, vm0, $0xb8;
	[tilespmem:$0x18200] =	vst v63  }
0x280: {  	_ = 	snop  }
0x281: {  	[tilespmem:s14], [sflag:$0x1] =	stream.indirect_vreg.gather [hbm4b:s7+s3], $0x80, v4, vm0, $0xb8;
	[tilespmem:$0x18200] =	vst v63  }
0x282: {  	_ = 	snop  }
0x283: {  	[tilespmem:s15], [sflag:$0x1] =	stream.indirect_vreg.gather [hbm4b:s2+s3], $0x80, v3, vm0, $0xb8;
	[tilespmem:$0x18200] =	vst v63  }
0x284: {  	_ = 	snop  }
0x285: {  	[tilespmem:s16], [sflag:$0x1] =	stream.indirect_vreg.gather [hbm4b:s5+s3], $0x80, v3, vm0, $0xb8;
	[tilespmem:$0x18200] =	vst v63  }
0x286: {  	_ = 	snop  }
0x287: {  	[tilespmem:s17], [sflag:$0x1] =	stream.indirect_vreg.gather [hbm4b:s6+s3], $0x80, v3, vm0, $0xb8;
	[tilespmem:$0x18200] =	vst v63  }
0x288: {  	s17 =	simm.s32 $0x3A00  }
0x289: {  	[tilespmem:s17], [sflag:$0x1] =	stream.indirect_vreg.gather [hbm4b:s7+s3], $0x80, v3, vm0, $0xb8;
	[tilespmem:$0x18200] =	vst v63  }
0x28a: {  	v3 =	vld [tilespmem:$0x190];
	_ =	sdelay $0x4  }
0x28b: {  	v57 =	vshll.u32 v3, $0x3  }
0x28c: {  	v3 =	vand.u32 $0x7, v3;
	v4 =	vand.u32 $0xFFFFFFC0, v57  }
0x28d: {  	v3 =	vor.u32 v3, v4  }
0x28e: {  	v4 =	vperm.xlane v3, v0;
	_ =	sdelay $0x1  }
0x28f: {  	v4 =	vadd.s32 v1, v4;
	_ =	sdelay $0x3  }
0x290: {  	s17 =	simm.s32 $0x4200  }
0x291: {  	[tilespmem:s17], [sflag:$0x1] =	stream.indirect_vreg.gather [hbm4b:s2+s3], $0x80, v4, vm0, $0xb8;
	[tilespmem:$0x18200] =	vst v63  }
0x292: {  	v3 =	vperm.xlane v3, v2;
	s17 =	simm.s32 $0x4A00  }
0x293: {  	[tilespmem:s17], [sflag:$0x1] =	stream.indirect_vreg.gather [hbm4b:s5+s3], $0x80, v4, vm0, $0xb8;
	[tilespmem:$0x18200] =	vst v63  }
0x294: {  	v3 =	vadd.s32 v1, v3  }
0x295: {  	[tilespmem:s10], [sflag:$0x1] =	stream.indirect_vreg.gather [hbm4b:s6+s3], $0x80, v4, vm0, $0xb8;
	[tilespmem:$0x18200] =	vst v63  }
0x296: {  	_ = 	snop  }
0x297: {  	[tilespmem:s12], [sflag:$0x1] =	stream.indirect_vreg.gather [hbm4b:s7+s3], $0x80, v4, vm0, $0xb8;
	[tilespmem:$0x18200] =	vst v63  }
0x298: {  	_ = 	snop  }
0x299: {  	[tilespmem:s13], [sflag:$0x1] =	stream.indirect_vreg.gather [hbm4b:s2+s3], $0x80, v3, vm0, $0xb8;
	[tilespmem:$0x18200] =	vst v63  }
0x29a: {  	_ = 	snop  }
0x29b: {  	[tilespmem:s18], [sflag:$0x1] =	stream.indirect_vreg.gather [hbm4b:s5+s3], $0x80, v3, vm0, $0xb8;
	[tilespmem:$0x18200] =	vst v63  }
0x29c: {  	_ = 	snop  }
0x29d: {  	[tilespmem:s19], [sflag:$0x1] =	stream.indirect_vreg.gather [hbm4b:s6+s3], $0x80, v3, vm0, $0xb8;
	[tilespmem:$0x18200] =	vst v63  }
0x29e: {  	_ = 	snop  }
0x29f: {  	[tilespmem:s20], [sflag:$0x1] =	stream.indirect_vreg.gather [hbm4b:s7+s3], $0x80, v3, vm0, $0xb8;
	[tilespmem:$0x18200] =	vst v63  }
0x2a0: {  	_ =	swait.ge [sflag:s28], $0x8000  }
0x2a1: {  	[sflag:s28] =	ssyncset.done $0x0  }
0x2a2: {  	s24 =	simm.s32 $0x8200;
	s20 =	rddreg [dreg:$0xf];
	[sflag:s28] =	ssyncadd.s32 $0xFFFF8000  }
0x2a3: {  	[hbm4b:s20+s3] =	stream.linear.scatter [tilespmem:s24], [sflag:$0x5], $0x8000, $0x38;
	[tilespmem:$0x18200] =	vst v63  }
0x2a4: {  	_ =	swait.ge [sflag:s30], $0x8000  }
0x2a5: {  	[sflag:s30] =	ssyncset.done $0x0  }
0x2a6: {  	[sflag:s30] =	ssyncadd.s32 $0xFFFF8000  }
0x2a7: {  	v3 =	vld [tilespmem:$0x1A0];
	_ =	sdelay $0x4  }
0x2a8: {  	v58 =	vshll.u32 v3, $0x3  }
0x2a9: {  	v3 =	vand.u32 $0x7, v3;
	v4 =	vand.u32 $0xFFFFFFC0, v58  }
0x2aa: {  	v3 =	vor.u32 v3, v4  }
0x2ab: {  	v4 =	vperm.xlane v3, v0;
	_ =	sdelay $0x1  }
0x2ac: {  	v4 =	vadd.s32 v1, v4;
	_ =	sdelay $0x4  }
0x2ad: {  	[tilespmem:s24], [sflag:$0x2] =	stream.indirect_vreg.gather [hbm4b:s2+s3], $0x80, v4, vm0, $0xb8;
	[tilespmem:$0x18200] =	vst v63  }
0x2ae: {  	s20 =	simm.s32 $0x8A00;
	v3 =	vperm.xlane v3, v2  }
0x2af: {  	[tilespmem:s20], [sflag:$0x2] =	stream.indirect_vreg.gather [hbm4b:s5+s3], $0x80, v4, vm0, $0xb8;
	[tilespmem:$0x18200] =	vst v63  }
0x2b0: {  	v3 =	vadd.s32 v1, v3;
	s20 =	simm.s32 $0x9200  }
0x2b1: {  	[tilespmem:s20], [sflag:$0x2] =	stream.indirect_vreg.gather [hbm4b:s6+s3], $0x80, v4, vm0, $0xb8;
	[tilespmem:$0x18200] =	vst v63  }
0x2b2: {  	s20 =	simm.s32 $0x9A00  }
0x2b3: {  	[tilespmem:s20], [sflag:$0x2] =	stream.indirect_vreg.gather [hbm4b:s7+s3], $0x80, v4, vm0, $0xb8;
	[tilespmem:$0x18200] =	vst v63  }
0x2b4: {  	s25 =	simm.s32 $0xA200  }
0x2b5: {  	[tilespmem:s25], [sflag:$0x2] =	stream.indirect_vreg.gather [hbm4b:s2+s3], $0x80, v3, vm0, $0xb8;
	[tilespmem:$0x18200] =	vst v63  }
0x2b6: {  	s20 =	simm.s32 $0xAA00  }
0x2b7: {  	[tilespmem:s20], [sflag:$0x2] =	stream.indirect_vreg.gather [hbm4b:s5+s3], $0x80, v3, vm0, $0xb8;
	[tilespmem:$0x18200] =	vst v63  }
0x2b8: {  	s25 =	simm.s32 $0xB200  }
0x2b9: {  	[tilespmem:s25], [sflag:$0x2] =	stream.indirect_vreg.gather [hbm4b:s6+s3], $0x80, v3, vm0, $0xb8;
	[tilespmem:$0x18200] =	vst v63  }
0x2ba: {  	s20 =	simm.s32 $0xBA00  }
0x2bb: {  	[tilespmem:s20], [sflag:$0x2] =	stream.indirect_vreg.gather [hbm4b:s7+s3], $0x80, v3, vm0, $0xb8;
	[tilespmem:$0x18200] =	vst v63  }
0x2bc: {  	v3 =	vld [tilespmem:$0x1B0];
	_ =	sdelay $0x4  }
0x2bd: {  	v59 =	vshll.u32 v3, $0x3  }
0x2be: {  	v3 =	vand.u32 $0x7, v3;
	v4 =	vand.u32 $0xFFFFFFC0, v59  }
0x2bf: {  	v3 =	vor.u32 v3, v4  }
0x2c0: {  	v4 =	vperm.xlane v3, v0;
	_ =	sdelay $0x1  }
0x2c1: {  	v4 =	vadd.s32 v1, v4;
	_ =	sdelay $0x3  }
0x2c2: {  	s25 =	simm.s32 $0xC200  }
0x2c3: {  	[tilespmem:s25], [sflag:$0x2] =	stream.indirect_vreg.gather [hbm4b:s2+s3], $0x80, v4, vm0, $0xb8;
	[tilespmem:$0x18200] =	vst v63  }
0x2c4: {  	s20 =	simm.s32 $0xCA00;
	v3 =	vperm.xlane v3, v2  }
0x2c5: {  	[tilespmem:s20], [sflag:$0x2] =	stream.indirect_vreg.gather [hbm4b:s5+s3], $0x80, v4, vm0, $0xb8;
	[tilespmem:$0x18200] =	vst v63  }
0x2c6: {  	v3 =	vadd.s32 v1, v3;
	s25 =	simm.s32 $0xD200  }
0x2c7: {  	[tilespmem:s25], [sflag:$0x2] =	stream.indirect_vreg.gather [hbm4b:s6+s3], $0x80, v4, vm0, $0xb8;
	[tilespmem:$0x18200] =	vst v63  }
0x2c8: {  	s20 =	simm.s32 $0xDA00  }
0x2c9: {  	[tilespmem:s20], [sflag:$0x2] =	stream.indirect_vreg.gather [hbm4b:s7+s3], $0x80, v4, vm0, $0xb8;
	[tilespmem:$0x18200] =	vst v63  }
0x2ca: {  	s25 =	simm.s32 $0xE200  }
0x2cb: {  	[tilespmem:s25], [sflag:$0x2] =	stream.indirect_vreg.gather [hbm4b:s2+s3], $0x80, v3, vm0, $0xb8;
	[tilespmem:$0x18200] =	vst v63  }
0x2cc: {  	s20 =	simm.s32 $0xEA00  }
0x2cd: {  	[tilespmem:s20], [sflag:$0x2] =	stream.indirect_vreg.gather [hbm4b:s5+s3], $0x80, v3, vm0, $0xb8;
	[tilespmem:$0x18200] =	vst v63  }
0x2ce: {  	s25 =	simm.s32 $0xF200  }
0x2cf: {  	[tilespmem:s25], [sflag:$0x2] =	stream.indirect_vreg.gather [hbm4b:s6+s3], $0x80, v3, vm0, $0xb8;
	[tilespmem:$0x18200] =	vst v63  }
0x2d0: {  	s20 =	simm.s32 $0xFA00  }
0x2d1: {  	[tilespmem:s20], [sflag:$0x2] =	stream.indirect_vreg.gather [hbm4b:s7+s3], $0x80, v3, vm0, $0xb8;
	[tilespmem:$0x18200] =	vst v63  }
0x2d2: {  	_ =	swait.ge [sflag:s31], $0x8000  }
0x2d3: {  	[sflag:s31] =	ssyncset.done $0x0  }
0x2d4: {  	s23 =	simm.s32 $0x10200;
	s25 =	rddreg [dreg:$0x10];
	[sflag:s31] =	ssyncadd.s32 $0xFFFF8000  }
0x2d5: {  	[hbm4b:s25+s3] =	stream.linear.scatter [tilespmem:s23], [sflag:$0x6], $0x8000, $0x38;
	[tilespmem:$0x18200] =	vst v63  }
0x2d6: {  	_ =	swait.ge [sflag:s0], $0x8000  }
0x2d7: {  	[sflag:s0] =	ssyncset.done $0x0  }
0x2d8: {  	[sflag:s0] =	ssyncadd.s32 $0xFFFF8000  }
0x2d9: {  	v3 =	vld [tilespmem:$0x1C0];
	_ =	sdelay $0x4  }
0x2da: {  	v60 =	vshll.u32 v3, $0x3  }
0x2db: {  	v3 =	vand.u32 $0x7, v3;
	v4 =	vand.u32 $0xFFFFFFC0, v60  }
0x2dc: {  	v3 =	vor.u32 v3, v4  }
0x2dd: {  	v4 =	vperm.xlane v3, v0;
	_ =	sdelay $0x1  }
0x2de: {  	v4 =	vadd.s32 v1, v4;
	_ =	sdelay $0x4  }
0x2df: {  	[tilespmem:s23], [sflag:$0x3] =	stream.indirect_vreg.gather [hbm4b:s2+s3], $0x80, v4, vm0, $0xb8;
	[tilespmem:$0x18200] =	vst v63  }
0x2e0: {  	s26 =	simm.s32 $0x10A00;
	v3 =	vperm.xlane v3, v2  }
0x2e1: {  	[tilespmem:s26], [sflag:$0x3] =	stream.indirect_vreg.gather [hbm4b:s5+s3], $0x80, v4, vm0, $0xb8;
	[tilespmem:$0x18200] =	vst v63  }
0x2e2: {  	v3 =	vadd.s32 v1, v3  }
0x2e3: {  	[tilespmem:s22], [sflag:$0x3] =	stream.indirect_vreg.gather [hbm4b:s6+s3], $0x80, v4, vm0, $0xb8;
	[tilespmem:$0x18200] =	vst v63  }
0x2e4: {  	s20 =	simm.s32 $0x11A00  }
0x2e5: {  	[tilespmem:s20], [sflag:$0x3] =	stream.indirect_vreg.gather [hbm4b:s7+s3], $0x80, v4, vm0, $0xb8;
	[tilespmem:$0x18200] =	vst v63  }
0x2e6: {  	s22 =	simm.s32 $0x12200  }
0x2e7: {  	[tilespmem:s22], [sflag:$0x3] =	stream.indirect_vreg.gather [hbm4b:s2+s3], $0x80, v3, vm0, $0xb8;
	[tilespmem:$0x18200] =	vst v63  }
0x2e8: {  	s25 =	simm.s32 $0x12A00  }
0x2e9: {  	[tilespmem:s25], [sflag:$0x3] =	stream.indirect_vreg.gather [hbm4b:s5+s3], $0x80, v3, vm0, $0xb8;
	[tilespmem:$0x18200] =	vst v63  }
0x2ea: {  	s26 =	simm.s32 $0x13200  }
0x2eb: {  	[tilespmem:s26], [sflag:$0x3] =	stream.indirect_vreg.gather [hbm4b:s6+s3], $0x80, v3, vm0, $0xb8;
	[tilespmem:$0x18200] =	vst v63  }
0x2ec: {  	s29 =	simm.s32 $0x13A00  }
0x2ed: {  	[tilespmem:s29], [sflag:$0x3] =	stream.indirect_vreg.gather [hbm4b:s7+s3], $0x80, v3, vm0, $0xb8;
	[tilespmem:$0x18200] =	vst v63  }
0x2ee: {  	v3 =	vld [tilespmem:$0x1D0];
	_ =	sdelay $0x4  }
0x2ef: {  	v61 =	vshll.u32 v3, $0x3  }
0x2f0: {  	v3 =	vand.u32 $0x7, v3;
	v4 =	vand.u32 $0xFFFFFFC0, v61  }
0x2f1: {  	v3 =	vor.u32 v3, v4  }
0x2f2: {  	v4 =	vperm.xlane v3, v0;
	_ =	sdelay $0x1  }
0x2f3: {  	v4 =	vadd.s32 v1, v4;
	_ =	sdelay $0x3  }
0x2f4: {  	s20 =	simm.s32 $0x14200  }
0x2f5: {  	[tilespmem:s20], [sflag:$0x3] =	stream.indirect_vreg.gather [hbm4b:s2+s3], $0x80, v4, vm0, $0xb8;
	[tilespmem:$0x18200] =	vst v63  }
0x2f6: {  	s22 =	simm.s32 $0x14A00;
	v3 =	vperm.xlane v3, v2  }
0x2f7: {  	[tilespmem:s22], [sflag:$0x3] =	stream.indirect_vreg.gather [hbm4b:s5+s3], $0x80, v4, vm0, $0xb8;
	[tilespmem:$0x18200] =	vst v63  }
0x2f8: {  	s25 =	simm.s32 $0x15200;
	v3 =	vadd.s32 v1, v3  }
0x2f9: {  	[tilespmem:s25], [sflag:$0x3] =	stream.indirect_vreg.gather [hbm4b:s6+s3], $0x80, v4, vm0, $0xb8;
	[tilespmem:$0x18200] =	vst v63  }
0x2fa: {  	s26 =	simm.s32 $0x15A00  }
0x2fb: {  	[tilespmem:s26], [sflag:$0x3] =	stream.indirect_vreg.gather [hbm4b:s7+s3], $0x80, v4, vm0, $0xb8;
	[tilespmem:$0x18200] =	vst v63  }
0x2fc: {  	s29 =	simm.s32 $0x16200  }
0x2fd: {  	[tilespmem:s29], [sflag:$0x3] =	stream.indirect_vreg.gather [hbm4b:s2+s3], $0x80, v3, vm0, $0xb8;
	[tilespmem:$0x18200] =	vst v63  }
0x2fe: {  	s20 =	simm.s32 $0x16A00  }
0x2ff: {  	[tilespmem:s20], [sflag:$0x3] =	stream.indirect_vreg.gather [hbm4b:s5+s3], $0x80, v3, vm0, $0xb8;
	[tilespmem:$0x18200] =	vst v63  }
0x300: {  	s22 =	simm.s32 $0x17200  }
0x301: {  	[tilespmem:s22], [sflag:$0x3] =	stream.indirect_vreg.gather [hbm4b:s6+s3], $0x80, v3, vm0, $0xb8;
	[tilespmem:$0x18200] =	vst v63  }
0x302: {  	s25 =	simm.s32 $0x17A00  }
0x303: {  	[tilespmem:s25], [sflag:$0x3] =	stream.indirect_vreg.gather [hbm4b:s7+s3], $0x80, v3, vm0, $0xb8;
	[tilespmem:$0x18200] =	vst v63  }
0x304: {  	_ =	swait.ge [sflag:s1], $0x8000  }
0x305: {  	[sflag:s1] =	ssyncset.done $0x0  }
0x306: {  	s26 =	rddreg [dreg:$0x11];
	[sflag:s1] =	ssyncadd.s32 $0xFFFF8000  }
0x307: {  	[hbm4b:s26+s3] =	stream.linear.scatter [tilespmem:s8], [sflag:$0x4], $0x8000, $0x38;
	[tilespmem:$0x18200] =	vst v63  }
0x308: {  	_ =	swait.ge [sflag:s4], $0x8000  }
0x309: {  	[sflag:s4] =	ssyncset.done $0x0  }
0x30a: {  	[sflag:s4] =	ssyncadd.s32 $0xFFFF8000  }
0x30b: {  	v3 =	vld [tilespmem:$0x1E0];
	_ =	sdelay $0x4  }
0x30c: {  	v62 =	vshll.u32 v3, $0x3  }
0x30d: {  	v3 =	vand.u32 $0x7, v3;
	v4 =	vand.u32 $0xFFFFFFC0, v62  }
0x30e: {  	v3 =	vor.u32 v3, v4  }
0x30f: {  	v4 =	vperm.xlane v3, v0;
	_ =	sdelay $0x1  }
0x310: {  	v4 =	vadd.s32 v1, v4;
	_ =	sdelay $0x4  }
0x311: {  	[tilespmem:s8], [sflag:$0x1] =	stream.indirect_vreg.gather [hbm4b:s2+s3], $0x80, v4, vm0, $0xb8;
	[tilespmem:$0x18200] =	vst v63  }
0x312: {  	s29 =	simm.s32 $0xA00;
	v3 =	vperm.xlane v3, v2  }
0x313: {  	[tilespmem:s29], [sflag:$0x1] =	stream.indirect_vreg.gather [hbm4b:s5+s3], $0x80, v4, vm0, $0xb8;
	[tilespmem:$0x18200] =	vst v63  }
0x314: {  	s11 =	simm.s32 $0x1200;
	v3 =	vadd.s32 v1, v3  }
0x315: {  	[tilespmem:s11], [sflag:$0x1] =	stream.indirect_vreg.gather [hbm4b:s6+s3], $0x80, v4, vm0, $0xb8;
	[tilespmem:$0x18200] =	vst v63  }
0x316: {  	s21 =	simm.s32 $0x1A00  }
0x317: {  	[tilespmem:s21], [sflag:$0x1] =	stream.indirect_vreg.gather [hbm4b:s7+s3], $0x80, v4, vm0, $0xb8;
	[tilespmem:$0x18200] =	vst v63  }
0x318: {  	s14 =	simm.s32 $0x2200  }
0x319: {  	[tilespmem:s14], [sflag:$0x1] =	stream.indirect_vreg.gather [hbm4b:s2+s3], $0x80, v3, vm0, $0xb8;
	[tilespmem:$0x18200] =	vst v63  }
0x31a: {  	s15 =	simm.s32 $0x2A00  }
0x31b: {  	[tilespmem:s15], [sflag:$0x1] =	stream.indirect_vreg.gather [hbm4b:s5+s3], $0x80, v3, vm0, $0xb8;
	[tilespmem:$0x18200] =	vst v63  }
0x31c: {  	s16 =	simm.s32 $0x3200  }
0x31d: {  	[tilespmem:s16], [sflag:$0x1] =	stream.indirect_vreg.gather [hbm4b:s6+s3], $0x80, v3, vm0, $0xb8;
	[tilespmem:$0x18200] =	vst v63  }
0x31e: {  	s16 =	simm.s32 $0x3A00  }
0x31f: {  	[tilespmem:s16], [sflag:$0x1] =	stream.indirect_vreg.gather [hbm4b:s7+s3], $0x80, v3, vm0, $0xb8;
	[tilespmem:$0x18200] =	vst v63  }
0x320: {  	v3 =	vld [tilespmem:$0x1F0];
	_ =	sdelay $0x4  }
0x321: {  	v63 =	vshll.u32 v3, $0x3  }
0x322: {  	v3 =	vand.u32 $0x7, v3;
	v4 =	vand.u32 $0xFFFFFFC0, v63  }
0x323: {  	v3 =	vor.u32 v3, v4  }
0x324: {  	v4 =	vperm.xlane v3, v0;
	_ =	sdelay $0x1  }
0x325: {  	v4 =	vadd.s32 v1, v4;
	_ =	sdelay $0x3  }
0x326: {  	s20 =	simm.s32 $0x4200  }
0x327: {  	[tilespmem:s20], [sflag:$0x1] =	stream.indirect_vreg.gather [hbm4b:s2+s3], $0x80, v4, vm0, $0xb8;
	[tilespmem:$0x18200] =	vst v63  }
0x328: {  	s21 =	simm.s32 $0x4A00;
	v3 =	vperm.xlane v3, v2  }
0x329: {  	[tilespmem:s21], [sflag:$0x1] =	stream.indirect_vreg.gather [hbm4b:s5+s3], $0x80, v4, vm0, $0xb8;
	[tilespmem:$0x18200] =	vst v63  }
0x32a: {  	s10 =	simm.s32 $0x5200;
	v3 =	vadd.s32 v1, v3  }
0x32b: {  	[tilespmem:s10], [sflag:$0x1] =	stream.indirect_vreg.gather [hbm4b:s6+s3], $0x80, v4, vm0, $0xb8;
	[tilespmem:$0x18200] =	vst v63  }
0x32c: {  	s12 =	simm.s32 $0x5A00  }
0x32d: {  	[tilespmem:s12], [sflag:$0x1] =	stream.indirect_vreg.gather [hbm4b:s7+s3], $0x80, v4, vm0, $0xb8;
	[tilespmem:$0x18200] =	vst v63  }
0x32e: {  	s13 =	simm.s32 $0x6200  }
0x32f: {  	[tilespmem:s13], [sflag:$0x1] =	stream.indirect_vreg.gather [hbm4b:s2+s3], $0x80, v3, vm0, $0xb8;
	[tilespmem:$0x18200] =	vst v63  }
0x330: {  	s17 =	simm.s32 $0x6A00  }
0x331: {  	[tilespmem:s17], [sflag:$0x1] =	stream.indirect_vreg.gather [hbm4b:s5+s3], $0x80, v3, vm0, $0xb8;
	[tilespmem:$0x18200] =	vst v63  }
0x332: {  	s18 =	simm.s32 $0x7200  }
0x333: {  	[tilespmem:s18], [sflag:$0x1] =	stream.indirect_vreg.gather [hbm4b:s6+s3], $0x80, v3, vm0, $0xb8;
	[tilespmem:$0x18200] =	vst v63  }
0x334: {  	s19 =	simm.s32 $0x7A00  }
0x335: {  	[tilespmem:s19], [sflag:$0x1] =	stream.indirect_vreg.gather [hbm4b:s7+s3], $0x80, v3, vm0, $0xb8;
	[tilespmem:$0x18200] =	vst v63  }
0x336: {  	_ =	swait.ge [sflag:s28], $0x8000  }
0x337: {  	[sflag:s28] =	ssyncset.done $0x0  }
0x338: {  	s22 =	rddreg [dreg:$0x12];
	[sflag:s28] =	ssyncadd.s32 $0xFFFF8000  }
0x339: {  	[hbm4b:s22+s3] =	stream.linear.scatter [tilespmem:s24], [sflag:$0x5], $0x8000, $0x38;
	[tilespmem:$0x18200] =	vst v63  }
0x33a: {  	_ =	swait.ge [sflag:s31], $0x8000  }
0x33b: {  	[sflag:s31] =	ssyncset.done $0x0  }
0x33c: {  	s25 =	rddreg [dreg:$0x13];
	[sflag:s31] =	ssyncadd.s32 $0xFFFF8000  }
0x33d: {  	[hbm4b:s25+s3] =	stream.linear.scatter [tilespmem:s23], [sflag:$0x6], $0x8000, $0x38;
	[tilespmem:$0x18200] =	vst v63  }
0x33e: {  	_ =	swait.ge [sflag:s1], $0x8000  }
0x33f: {  	[sflag:s1] =	ssyncset.done $0x0  }
0x340: {  	s26 =	rddreg [dreg:$0x14];
	[sflag:s1] =	ssyncadd.s32 $0xFFFF8000  }
0x341: {  	[hbm4b:s26+s3] =	stream.linear.scatter [tilespmem:s8], [sflag:$0x4], $0x8000, $0x38;
	[tilespmem:$0x18200] =	vst v63  }
0x342: {  	s29 =	rddreg [dreg:$0x16];
	_ =	swait.ge [sflag:s30], $0x8000  }
0x343: {  	[sflag:s30] =	ssyncset.done $0x0  }
0x344: {  	[sflag:s30] =	ssyncadd.s32 $0xFFFF8000  }
0x345: {  	p0 =	sne.s32 s29, $0x1;
	_ =	swait.ge [sflag:s0], $0x8000  }
.Ltmp0:
0x346: {  	[sflag:s0] =	ssyncset.done $0x0;
	(pc) =	sbr.rel @p0 .LBB2_1-.Ltmp0, $4  }
0x347: {  	[sflag:s0] =	ssyncadd.s32 $0xFFFF8000  }
0x348: {  	_ =	swait.ge [sflag:s4], $0x8000  }
0x349: {  	[sflag:s4] =	ssyncset.done $0x0  }
0x34a: {  	s8 =	sadd.s32 $0xFFFFFFFF, s29;
	[sflag:s4] =	ssyncadd.s32 $0xFFFF8000  }
0x34b: {  	_ =	sfence.sel $0x180000  }
0x34c: {  	[bflag:$0x0] =	sbarrier.arrive $0xFFFF  }
0x34d: {  	_ =	strace $0x90000047  }
0x34e: {  	s0 =	stileid.u32;
	[bflag:$0x2] =	sbarrier.arrive $0xFFFF  }
0x34f: {  	p0 =	sne.s32 s0, $0x0;
	s0 =	rddreg [dreg:$0x3]  }
0x350: {  	s0 =	sadd.s32 @!p0 $0x100000, s0  }
0x351: {  	[sflag:s0] =	ssyncadd.tile.s32 @!p0 $0x1;
	_ =	shalt  }
.Lfunc_end2:
_tile_overlayer_lowered:
.L_overlay_start_2:
0x352: {  	(tag) =	ssettag $0x2  }
0x353: {  	s0 =	rddreg [dreg:$0x0];
	s2 =	stileid.u32  }
0x354: {  	s1 =	rddreg [dreg:$0x1];
	p0 =	sne.s32 s2, $0x0  }
0x355: {  	s3 =	rddreg [dreg:$0x2];
	[bflag:$0x3] =	sbarrier.arrive $0xFFFF;
	s2 =	simm.s32 @!p0 $0x1C07  }
0x356: {  	[timem:s3], [sflag:s2] =	dma.local @!p0 [hbm:s0], s1  }
0x357: {  	s0 =	simm.s32 @!p0 $0x7  }
0x358: {  	_ =	swait.ge @!p0 [sflag:s0], s1  }
0x359: {  	s1 =	ssub.s32 @!p0 $0x0, s1;
	[sflag:s0] =	ssyncset.done @!p0 $0x0  }
0x35a: {  	[sflag:s0] =	ssyncadd.s32 @!p0 s1  }
0x35b: {  	[bflag:$0x3] =	sbarrier.arrive $0xFFFF  }
0x35c: {  	_ =	shalt  }

</sc_bundles>
